<compile_context>
chip_gen: v7x
topology: tpu7x:2x2x1
jax: 0.10.2.dev20260603
libtpu: 0.0.44.dev20260713+nightly
codegen_flags: <defaults>
</compile_context>

<pallas_src>
import functools

import jax
import jax.numpy as jnp
from jax import lax
from jax.experimental import pallas as pl
from jax.experimental.pallas import tpu as pltpu
from jax.experimental.pallas import tpu_sc as plsc

_D = 64
_NC = 2
_NS = 16
_NW = _NC * _NS
_CHUNK = 320
_NBUF = 4


@functools.cache
def _make_gather(B: int):
    b_per_w = B // _NW
    n_chunks = b_per_w // _CHUNK
    assert b_per_w % _CHUNK == 0 and B % _NW == 0 and n_chunks >= _NBUF

    mesh = plsc.VectorSubcoreMesh(core_axis_name="c", subcore_axis_name="s")

    @functools.partial(
        pl.kernel,
        mesh=mesh,
        compiler_params=pltpu.CompilerParams(use_tc_tiling_on_sc=False),
        out_type=jax.ShapeDtypeStruct((B, _D), jnp.float32),
        scratch_types=[
            pltpu.VMEM((b_per_w,), jnp.int32),
            *[pltpu.VMEM((_CHUNK, _D), jnp.float32) for _ in range(_NBUF)],
            *[pltpu.SemaphoreType.DMA for _ in range(2 * _NBUF)],
        ],
    )
    def gather_kernel(idx_hbm, table_hbm, out_hbm, idx_v, *bufs_sems):
        rows = bufs_sems[:_NBUF]
        gsems = bufs_sems[_NBUF:2 * _NBUF]
        osems = bufs_sems[2 * _NBUF:]
        wid = lax.axis_index("s") * _NC + lax.axis_index("c")
        base = wid * b_per_w

        pltpu.sync_copy(idx_hbm.at[pl.ds(base, b_per_w)], idx_v)

        gathers = [None] * _NBUF
        writes = [None] * _NBUF
        for b in range(_NBUF - 1):
            gathers[b] = pltpu.async_copy(
                table_hbm.at[idx_v.at[pl.ds(b * _CHUNK, _CHUNK)]],
                rows[b], gsems[b])
        for g in range(n_chunks):
            b = g % _NBUF
            gathers[b].wait()
            writes[b] = pltpu.async_copy(
                rows[b], out_hbm.at[pl.ds(base + g * _CHUNK, _CHUNK)],
                osems[b])
            nxt = g + _NBUF - 1
            if nxt < n_chunks:
                nb = nxt % _NBUF
                if writes[nb] is not None:
                    writes[nb].wait()
                gathers[nb] = pltpu.async_copy(
                    table_hbm.at[idx_v.at[pl.ds(nxt * _CHUNK, _CHUNK)]],
                    rows[nb], gsems[nb])
        for b in range(_NBUF):
            if writes[b] is not None:
                writes[b].wait()

    return gather_kernel


def kernel(input, weight):
    B = input.shape[0] * input.shape[1]
    idx = jnp.reshape(jnp.maximum(input, jnp.int32(0)), (B,))
    out = _make_gather(B)(idx, weight)
    return jnp.reshape(out, (*input.shape, _D))

# --- scband reference (transcript-rebuilt; emitter-appended) ---
"""Pipeline reference for scband-tensor-parallel-embedding-14139032338757 (READ-ONLY COPY).

The authoritative reference and input builder live on the scoring server;
editing this copy changes nothing except your own understanding.
"""

import jax, jax.numpy as jnp
import numpy as np

NUM_EMBEDDINGS = 1000000
EMBED_DIM = 64
WORLD_SIZE = 1
RANK = 0
BLOCK_SIZE = NUM_EMBEDDINGS // WORLD_SIZE
MIN_ID = RANK * BLOCK_SIZE
MAX_ID = min(NUM_EMBEDDINGS, (RANK + 1) * BLOCK_SIZE)
NULL_IDX = BLOCK_SIZE


def setup_inputs(seed: int = 0) -> dict:
    key = jax.random.key(seed)
    k1, k2 = jax.random.split(key)
    indices = jax.random.randint(k1, (16384, 20), 0, NUM_EMBEDDINGS, dtype=jnp.int32)
    # local shard weight [block_size, d], padded with a zero row for masked ids
    w = jax.random.normal(k2, (BLOCK_SIZE, EMBED_DIM), dtype=jnp.float32) * 0.02
    weight = jnp.concatenate([w, jnp.zeros((1, EMBED_DIM), dtype=jnp.float32)], axis=0)
    return {"input": indices, "weight": weight}


def reference(input, weight):
    # Map ids outside this rank's [MIN_ID, MAX_ID) range to the padded null row,
    # otherwise shift into local-table coordinates.
    local_ids = jnp.where((input < MIN_ID) | (input >= MAX_ID), NULL_IDX, input - MIN_ID)
    out = jnp.take(weight, local_ids, axis=0)
    # world_size == 1: the all_reduce is a no-op; with TP>1 this would be a sum
    # across ranks (each contributes zeros for ids it does not own).
    return out

if __name__ == "__main__":
    import jax
    _d = setup_inputs()
    print(jax.jit(kernel)(*tuple(_d.values())))

</pallas_src>

<mosaic_0001>
#map = affine_map<(d0, d1) -> (0)>
#map1 = affine_map<(d0, d1) -> (0, 0)>
module attributes {stable_mosaic.version = 14 : i64} {
  func.func @gather_kernel(%arg0: i32, %arg1: i32, %arg2: memref<327680xi32, #tpu.memory_space<hbm>>, %arg3: memref<1000001x64xf32, #tpu.memory_space<hbm>>, %arg4: memref<327680x64xf32, #tpu.memory_space<hbm>>, %arg5: memref<10240xi32, #tpu.memory_space<vmem>>, %arg6: memref<320x64xf32, #tpu.memory_space<vmem>>, %arg7: memref<320x64xf32, #tpu.memory_space<vmem>>, %arg8: memref<320x64xf32, #tpu.memory_space<vmem>>, %arg9: memref<320x64xf32, #tpu.memory_space<vmem>>, %arg10: memref<!tpu.dma_semaphore, #tpu.memory_space<semaphore_mem>>, %arg11: memref<!tpu.dma_semaphore, #tpu.memory_space<semaphore_mem>>, %arg12: memref<!tpu.dma_semaphore, #tpu.memory_space<semaphore_mem>>, %arg13: memref<!tpu.dma_semaphore, #tpu.memory_space<semaphore_mem>>, %arg14: memref<!tpu.dma_semaphore, #tpu.memory_space<semaphore_mem>>, %arg15: memref<!tpu.dma_semaphore, #tpu.memory_space<semaphore_mem>>, %arg16: memref<!tpu.dma_semaphore, #tpu.memory_space<semaphore_mem>>, %arg17: memref<!tpu.dma_semaphore, #tpu.memory_space<semaphore_mem>>) attributes {dimension_semantics = [#tpu.dimension_semantics<core_parallel>, #tpu.dimension_semantics<subcore_parallel>], iteration_bounds = array<i64: 2, 16>, scalar_prefetch = 0 : i64, scratch_operands = 13 : i64, tpu.core_type = #tpu.core_type<sc_vector_subcore>, window_params = [{transform_indices = #map}, {transform_indices = #map1}, {transform_indices = #map1}]} {
    %mul3A = arith.constant 2 : i32
    %mul3A_0 = arith.muli %arg1, %mul3A : i32
    %add3A = arith.addi %mul3A_0, %arg0 : i32
    %mul3A_1 = arith.constant 10240 : i32
    %mul3A_2 = arith.muli %add3A, %mul3A_1 : i32
    "tpu.region"() ({
      %run_scoped3A = tpu.sem_alloc : memref<!tpu.dma_semaphore, #tpu.memory_space<semaphore_mem>>
      %dma_start3A_641 = tpu.memref_slice %arg2[%mul3A_2] : memref<327680xi32, #tpu.memory_space<hbm>> -> memref<10240xi32, #tpu.memory_space<hbm>>
      %dma_start3A_642 = tpu.memref_slice %arg2[%mul3A_2] : memref<327680xi32, #tpu.memory_space<hbm>> -> memref<10240xi32, #tpu.memory_space<hbm>>
      tpu.enqueue_dma source(%dma_start3A_642 : memref<10240xi32, #tpu.memory_space<hbm>>) target(%arg5 : memref<10240xi32, #tpu.memory_space<vmem>>) target_semaphore(%run_scoped3A : memref<!tpu.dma_semaphore, #tpu.memory_space<semaphore_mem>>)
      %dma_wait3A_643 = tpu.memref_slice %arg2[%mul3A_2] : memref<327680xi32, #tpu.memory_space<hbm>> -> memref<10240xi32, #tpu.memory_space<hbm>>
      %dma_wait3A_644 = tpu.memref_slice %arg2[%mul3A_2] : memref<327680xi32, #tpu.memory_space<hbm>> -> memref<10240xi32, #tpu.memory_space<hbm>>
      tpu.wait_dma2 semaphore(%run_scoped3A : memref<!tpu.dma_semaphore, #tpu.memory_space<semaphore_mem>>) src(%dma_wait3A_644 : memref<10240xi32, #tpu.memory_space<hbm>>) dst(%arg5 : memref<10240xi32, #tpu.memory_space<vmem>>)
      tpu.yield
    }) : () -> ()
    %dma_start3A = arith.constant 0 : i32
    %dma_start3A_3 = tpu.memref_slice %arg5[%dma_start3A] : memref<10240xi32, #tpu.memory_space<vmem>> -> memref<320xi32, #tpu.memory_space<vmem>>
    %dma_start3A_4 = arith.constant 0 : i32
    %dma_start3A_5 = arith.constant 0 : i32
    %dma_start3A_6 = tpu.memref_slice %arg3[%dma_start3A_4, %dma_start3A_5] : memref<1000001x64xf32, #tpu.memory_space<hbm>> -> memref<1000001x64xf32, #tpu.memory_space<hbm>>
    tpu.enqueue_indirect_dma source(%dma_start3A_6 : memref<1000001x64xf32, #tpu.memory_space<hbm>>) target(%arg6 : memref<320x64xf32, #tpu.memory_space<vmem>>) offsets(%dma_start3A_3 : memref<320xi32, #tpu.memory_space<vmem>>) semaphore(%arg10 : memref<!tpu.dma_semaphore, #tpu.memory_space<semaphore_mem>>)
    %dma_start3A_7 = arith.constant 320 : i32
    %dma_start3A_8 = tpu.memref_slice %arg5[%dma_start3A_7] : memref<10240xi32, #tpu.memory_space<vmem>> -> memref<320xi32, #tpu.memory_space<vmem>>
    %dma_start3A_9 = arith.constant 0 : i32
    %dma_start3A_10 = arith.constant 0 : i32
    %dma_start3A_11 = tpu.memref_slice %arg3[%dma_start3A_9, %dma_start3A_10] : memref<1000001x64xf32, #tpu.memory_space<hbm>> -> memref<1000001x64xf32, #tpu.memory_space<hbm>>
    tpu.enqueue_indirect_dma source(%dma_start3A_11 : memref<1000001x64xf32, #tpu.memory_space<hbm>>) target(%arg7 : memref<320x64xf32, #tpu.memory_space<vmem>>) offsets(%dma_start3A_8 : memref<320xi32, #tpu.memory_space<vmem>>) semaphore(%arg11 : memref<!tpu.dma_semaphore, #tpu.memory_space<semaphore_mem>>)
    %dma_start3A_12 = arith.constant 640 : i32
    %dma_start3A_13 = tpu.memref_slice %arg5[%dma_start3A_12] : memref<10240xi32, #tpu.memory_space<vmem>> -> memref<320xi32, #tpu.memory_space<vmem>>
    %dma_start3A_14 = arith.constant 0 : i32
    %dma_start3A_15 = arith.constant 0 : i32
    %dma_start3A_16 = tpu.memref_slice %arg3[%dma_start3A_14, %dma_start3A_15] : memref<1000001x64xf32, #tpu.memory_space<hbm>> -> memref<1000001x64xf32, #tpu.memory_space<hbm>>
    tpu.enqueue_indirect_dma source(%dma_start3A_16 : memref<1000001x64xf32, #tpu.memory_space<hbm>>) target(%arg8 : memref<320x64xf32, #tpu.memory_space<vmem>>) offsets(%dma_start3A_13 : memref<320xi32, #tpu.memory_space<vmem>>) semaphore(%arg12 : memref<!tpu.dma_semaphore, #tpu.memory_space<semaphore_mem>>)
    %dma_wait3A = arith.constant 0 : i32
    %dma_wait3A_17 = tpu.memref_slice %arg5[%dma_wait3A] : memref<10240xi32, #tpu.memory_space<vmem>> -> memref<320xi32, #tpu.memory_space<vmem>>
    %dma_wait3A_18 = arith.constant 0 : i32
    %dma_wait3A_19 = arith.constant 0 : i32
    %dma_wait3A_20 = tpu.memref_slice %arg3[%dma_wait3A_18, %dma_wait3A_19] : memref<1000001x64xf32, #tpu.memory_space<hbm>> -> memref<1000001x64xf32, #tpu.memory_space<hbm>>
    tpu.wait_indirect_dma semaphore(%arg10 : memref<!tpu.dma_semaphore, #tpu.memory_space<semaphore_mem>>) src(%dma_wait3A_20 : memref<1000001x64xf32, #tpu.memory_space<hbm>>) dst(%arg6 : memref<320x64xf32, #tpu.memory_space<vmem>>)
    %add3A_21 = arith.constant 0 : i32
    %add3A_22 = arith.addi %mul3A_2, %add3A_21 : i32
    %dma_start3A_23 = arith.constant 0 : i32
    %dma_start3A_24 = tpu.memref_slice %arg4[%add3A_22, %dma_start3A_23] : memref<327680x64xf32, #tpu.memory_space<hbm>> -> memref<320x64xf32, #tpu.memory_space<hbm>>
    %dma_start3A_25 = arith.constant 0 : i32
    %dma_start3A_26 = tpu.memref_slice %arg4[%add3A_22, %dma_start3A_25] : memref<327680x64xf32, #tpu.memory_space<hbm>> -> memref<320x64xf32, #tpu.memory_space<hbm>>
    tpu.enqueue_dma source(%arg6 : memref<320x64xf32, #tpu.memory_space<vmem>>) target(%dma_start3A_26 : memref<320x64xf32, #tpu.memory_space<hbm>>) target_semaphore(%arg14 : memref<!tpu.dma_semaphore, #tpu.memory_space<semaphore_mem>>)
    %dma_start3A_27 = arith.constant 960 : i32
    %dma_start3A_28 = tpu.memref_slice %arg5[%dma_start3A_27] : memref<10240xi32, #tpu.memory_space<vmem>> -> memref<320xi32, #tpu.memory_space<vmem>>
    %dma_start3A_29 = arith.constant 0 : i32
    %dma_start3A_30 = arith.constant 0 : i32
    %dma_start3A_31 = tpu.memref_slice %arg3[%dma_start3A_29, %dma_start3A_30] : memref<1000001x64xf32, #tpu.memory_space<hbm>> -> memref<1000001x64xf32, #tpu.memory_space<hbm>>
    tpu.enqueue_indirect_dma source(%dma_start3A_31 : memref<1000001x64xf32, #tpu.memory_space<hbm>>) target(%arg9 : memref<320x64xf32, #tpu.memory_space<vmem>>) offsets(%dma_start3A_28 : memref<320xi32, #tpu.memory_space<vmem>>) semaphore(%arg13 : memref<!tpu.dma_semaphore, #tpu.memory_space<semaphore_mem>>)
    %dma_wait3A_32 = arith.constant 320 : i32
    %dma_wait3A_33 = tpu.memref_slice %arg5[%dma_wait3A_32] : memref<10240xi32, #tpu.memory_space<vmem>> -> memref<320xi32, #tpu.memory_space<vmem>>
    %dma_wait3A_34 = arith.constant 0 : i32
    %dma_wait3A_35 = arith.constant 0 : i32
    %dma_wait3A_36 = tpu.memref_slice %arg3[%dma_wait3A_34, %dma_wait3A_35] : memref<1000001x64xf32, #tpu.memory_space<hbm>> -> memref<1000001x64xf32, #tpu.memory_space<hbm>>
    tpu.wait_indirect_dma semaphore(%arg11 : memref<!tpu.dma_semaphore, #tpu.memory_space<semaphore_mem>>) src(%dma_wait3A_36 : memref<1000001x64xf32, #tpu.memory_space<hbm>>) dst(%arg7 : memref<320x64xf32, #tpu.memory_space<vmem>>)
    %add3A_37 = arith.constant 320 : i32
    %add3A_38 = arith.addi %mul3A_2, %add3A_37 : i32
    %dma_start3A_39 = arith.constant 0 : i32
    %dma_start3A_40 = tpu.memref_slice %arg4[%add3A_38, %dma_start3A_39] : memref<327680x64xf32, #tpu.memory_space<hbm>> -> memref<320x64xf32, #tpu.memory_space<hbm>>
    %dma_start3A_41 = arith.constant 0 : i32
    %dma_start3A_42 = tpu.memref_slice %arg4[%add3A_38, %dma_start3A_41] : memref<327680x64xf32, #tpu.memory_space<hbm>> -> memref<320x64xf32, #tpu.memory_space<hbm>>
    tpu.enqueue_dma source(%arg7 : memref<320x64xf32, #tpu.memory_space<vmem>>) target(%dma_start3A_42 : memref<320x64xf32, #tpu.memory_space<hbm>>) target_semaphore(%arg15 : memref<!tpu.dma_semaphore, #tpu.memory_space<semaphore_mem>>)
    %dma_wait3A_43 = arith.constant 0 : i32
    %dma_wait3A_44 = tpu.memref_slice %arg4[%add3A_22, %dma_wait3A_43] : memref<327680x64xf32, #tpu.memory_space<hbm>> -> memref<320x64xf32, #tpu.memory_space<hbm>>
    %dma_wait3A_45 = arith.constant 0 : i32
    %dma_wait3A_46 = tpu.memref_slice %arg4[%add3A_22, %dma_wait3A_45] : memref<327680x64xf32, #tpu.memory_space<hbm>> -> memref<320x64xf32, #tpu.memory_space<hbm>>
    tpu.wait_dma2 semaphore(%arg14 : memref<!tpu.dma_semaphore, #tpu.memory_space<semaphore_mem>>) src(%arg6 : memref<320x64xf32, #tpu.memory_space<vmem>>) dst(%dma_wait3A_46 : memref<320x64xf32, #tpu.memory_space<hbm>>)
    %dma_start3A_47 = arith.constant 1280 : i32
    %dma_start3A_48 = tpu.memref_slice %arg5[%dma_start3A_47] : memref<10240xi32, #tpu.memory_space<vmem>> -> memref<320xi32, #tpu.memory_space<vmem>>
    %dma_start3A_49 = arith.constant 0 : i32
    %dma_start3A_50 = arith.constant 0 : i32
    %dma_start3A_51 = tpu.memref_slice %arg3[%dma_start3A_49, %dma_start3A_50] : memref<1000001x64xf32, #tpu.memory_space<hbm>> -> memref<1000001x64xf32, #tpu.memory_space<hbm>>
    tpu.enqueue_indirect_dma source(%dma_start3A_51 : memref<1000001x64xf32, #tpu.memory_space<hbm>>) target(%arg6 : memref<320x64xf32, #tpu.memory_space<vmem>>) offsets(%dma_start3A_48 : memref<320xi32, #tpu.memory_space<vmem>>) semaphore(%arg10 : memref<!tpu.dma_semaphore, #tpu.memory_space<semaphore_mem>>)
    %dma_wait3A_52 = arith.constant 640 : i32
    %dma_wait3A_53 = tpu.memref_slice %arg5[%dma_wait3A_52] : memref<10240xi32, #tpu.memory_space<vmem>> -> memref<320xi32, #tpu.memory_space<vmem>>
    %dma_wait3A_54 = arith.constant 0 : i32
    %dma_wait3A_55 = arith.constant 0 : i32
    %dma_wait3A_56 = tpu.memref_slice %arg3[%dma_wait3A_54, %dma_wait3A_55] : memref<1000001x64xf32, #tpu.memory_space<hbm>> -> memref<1000001x64xf32, #tpu.memory_space<hbm>>
    tpu.wait_indirect_dma semaphore(%arg12 : memref<!tpu.dma_semaphore, #tpu.memory_space<semaphore_mem>>) src(%dma_wait3A_56 : memref<1000001x64xf32, #tpu.memory_space<hbm>>) dst(%arg8 : memref<320x64xf32, #tpu.memory_space<vmem>>)
    %add3A_57 = arith.constant 640 : i32
    %add3A_58 = arith.addi %mul3A_2, %add3A_57 : i32
    %dma_start3A_59 = arith.constant 0 : i32
    %dma_start3A_60 = tpu.memref_slice %arg4[%add3A_58, %dma_start3A_59] : memref<327680x64xf32, #tpu.memory_space<hbm>> -> memref<320x64xf32, #tpu.memory_space<hbm>>
    %dma_start3A_61 = arith.constant 0 : i32
    %dma_start3A_62 = tpu.memref_slice %arg4[%add3A_58, %dma_start3A_61] : memref<327680x64xf32, #tpu.memory_space<hbm>> -> memref<320x64xf32, #tpu.memory_space<hbm>>
    tpu.enqueue_dma source(%arg8 : memref<320x64xf32, #tpu.memory_space<vmem>>) target(%dma_start3A_62 : memref<320x64xf32, #tpu.memory_space<hbm>>) target_semaphore(%arg16 : memref<!tpu.dma_semaphore, #tpu.memory_space<semaphore_mem>>)
    %dma_wait3A_63 = arith.constant 0 : i32
    %dma_wait3A_64 = tpu.memref_slice %arg4[%add3A_38, %dma_wait3A_63] : memref<327680x64xf32, #tpu.memory_space<hbm>> -> memref<320x64xf32, #tpu.memory_space<hbm>>
    %dma_wait3A_65 = arith.constant 0 : i32
    %dma_wait3A_66 = tpu.memref_slice %arg4[%add3A_38, %dma_wait3A_65] : memref<327680x64xf32, #tpu.memory_space<hbm>> -> memref<320x64xf32, #tpu.memory_space<hbm>>
    tpu.wait_dma2 semaphore(%arg15 : memref<!tpu.dma_semaphore, #tpu.memory_space<semaphore_mem>>) src(%arg7 : memref<320x64xf32, #tpu.memory_space<vmem>>) dst(%dma_wait3A_66 : memref<320x64xf32, #tpu.memory_space<hbm>>)
    %dma_start3A_67 = arith.constant 1600 : i32
    %dma_start3A_68 = tpu.memref_slice %arg5[%dma_start3A_67] : memref<10240xi32, #tpu.memory_space<vmem>> -> memref<320xi32, #tpu.memory_space<vmem>>
    %dma_start3A_69 = arith.constant 0 : i32
    %dma_start3A_70 = arith.constant 0 : i32
    %dma_start3A_71 = tpu.memref_slice %arg3[%dma_start3A_69, %dma_start3A_70] : memref<1000001x64xf32, #tpu.memory_space<hbm>> -> memref<1000001x64xf32, #tpu.memory_space<hbm>>
    tpu.enqueue_indirect_dma source(%dma_start3A_71 : memref<1000001x64xf32, #tpu.memory_space<hbm>>) target(%arg7 : memref<320x64xf32, #tpu.memory_space<vmem>>) offsets(%dma_start3A_68 : memref<320xi32, #tpu.memory_space<vmem>>) semaphore(%arg11 : memref<!tpu.dma_semaphore, #tpu.memory_space<semaphore_mem>>)
    %dma_wait3A_72 = arith.constant 960 : i32
    %dma_wait3A_73 = tpu.memref_slice %arg5[%dma_wait3A_72] : memref<10240xi32, #tpu.memory_space<vmem>> -> memref<320xi32, #tpu.memory_space<vmem>>
    %dma_wait3A_74 = arith.constant 0 : i32
    %dma_wait3A_75 = arith.constant 0 : i32
    %dma_wait3A_76 = tpu.memref_slice %arg3[%dma_wait3A_74, %dma_wait3A_75] : memref<1000001x64xf32, #tpu.memory_space<hbm>> -> memref<1000001x64xf32, #tpu.memory_space<hbm>>
    tpu.wait_indirect_dma semaphore(%arg13 : memref<!tpu.dma_semaphore, #tpu.memory_space<semaphore_mem>>) src(%dma_wait3A_76 : memref<1000001x64xf32, #tpu.memory_space<hbm>>) dst(%arg9 : memref<320x64xf32, #tpu.memory_space<vmem>>)
    %add3A_77 = arith.constant 960 : i32
    %add3A_78 = arith.addi %mul3A_2, %add3A_77 : i32
    %dma_start3A_79 = arith.constant 0 : i32
    %dma_start3A_80 = tpu.memref_slice %arg4[%add3A_78, %dma_start3A_79] : memref<327680x64xf32, #tpu.memory_space<hbm>> -> memref<320x64xf32, #tpu.memory_space<hbm>>
    %dma_start3A_81 = arith.constant 0 : i32
    %dma_start3A_82 = tpu.memref_slice %arg4[%add3A_78, %dma_start3A_81] : memref<327680x64xf32, #tpu.memory_space<hbm>> -> memref<320x64xf32, #tpu.memory_space<hbm>>
    tpu.enqueue_dma source(%arg9 : memref<320x64xf32, #tpu.memory_space<vmem>>) target(%dma_start3A_82 : memref<320x64xf32, #tpu.memory_space<hbm>>) target_semaphore(%arg17 : memref<!tpu.dma_semaphore, #tpu.memory_space<semaphore_mem>>)
    %dma_wait3A_83 = arith.constant 0 : i32
    %dma_wait3A_84 = tpu.memref_slice %arg4[%add3A_58, %dma_wait3A_83] : memref<327680x64xf32, #tpu.memory_space<hbm>> -> memref<320x64xf32, #tpu.memory_space<hbm>>
    %dma_wait3A_85 = arith.constant 0 : i32
    %dma_wait3A_86 = tpu.memref_slice %arg4[%add3A_58, %dma_wait3A_85] : memref<327680x64xf32, #tpu.memory_space<hbm>> -> memref<320x64xf32, #tpu.memory_space<hbm>>
    tpu.wait_dma2 semaphore(%arg16 : memref<!tpu.dma_semaphore, #tpu.memory_space<semaphore_mem>>) src(%arg8 : memref<320x64xf32, #tpu.memory_space<vmem>>) dst(%dma_wait3A_86 : memref<320x64xf32, #tpu.memory_space<hbm>>)
    %dma_start3A_87 = arith.constant 1920 : i32
    %dma_start3A_88 = tpu.memref_slice %arg5[%dma_start3A_87] : memref<10240xi32, #tpu.memory_space<vmem>> -> memref<320xi32, #tpu.memory_space<vmem>>
    %dma_start3A_89 = arith.constant 0 : i32
    %dma_start3A_90 = arith.constant 0 : i32
    %dma_start3A_91 = tpu.memref_slice %arg3[%dma_start3A_89, %dma_start3A_90] : memref<1000001x64xf32, #tpu.memory_space<hbm>> -> memref<1000001x64xf32, #tpu.memory_space<hbm>>
    tpu.enqueue_indirect_dma source(%dma_start3A_91 : memref<1000001x64xf32, #tpu.memory_space<hbm>>) target(%arg8 : memref<320x64xf32, #tpu.memory_space<vmem>>) offsets(%dma_start3A_88 : memref<320xi32, #tpu.memory_space<vmem>>) semaphore(%arg12 : memref<!tpu.dma_semaphore, #tpu.memory_space<semaphore_mem>>)
    %dma_wait3A_92 = arith.constant 1280 : i32
    %dma_wait3A_93 = tpu.memref_slice %arg5[%dma_wait3A_92] : memref<10240xi32, #tpu.memory_space<vmem>> -> memref<320xi32, #tpu.memory_space<vmem>>
    %dma_wait3A_94 = arith.constant 0 : i32
    %dma_wait3A_95 = arith.constant 0 : i32
    %dma_wait3A_96 = tpu.memref_slice %arg3[%dma_wait3A_94, %dma_wait3A_95] : memref<1000001x64xf32, #tpu.memory_space<hbm>> -> memref<1000001x64xf32, #tpu.memory_space<hbm>>
    tpu.wait_indirect_dma semaphore(%arg10 : memref<!tpu.dma_semaphore, #tpu.memory_space<semaphore_mem>>) src(%dma_wait3A_96 : memref<1000001x64xf32, #tpu.memory_space<hbm>>) dst(%arg6 : memref<320x64xf32, #tpu.memory_space<vmem>>)
    %add3A_97 = arith.constant 1280 : i32
    %add3A_98 = arith.addi %mul3A_2, %add3A_97 : i32
    %dma_start3A_99 = arith.constant 0 : i32
    %dma_start3A_100 = tpu.memref_slice %arg4[%add3A_98, %dma_start3A_99] : memref<327680x64xf32, #tpu.memory_space<hbm>> -> memref<320x64xf32, #tpu.memory_space<hbm>>
    %dma_start3A_101 = arith.constant 0 : i32
    %dma_start3A_102 = tpu.memref_slice %arg4[%add3A_98, %dma_start3A_101] : memref<327680x64xf32, #tpu.memory_space<hbm>> -> memref<320x64xf32, #tpu.memory_space<hbm>>
    tpu.enqueue_dma source(%arg6 : memref<320x64xf32, #tpu.memory_space<vmem>>) target(%dma_start3A_102 : memref<320x64xf32, #tpu.memory_space<hbm>>) target_semaphore(%arg14 : memref<!tpu.dma_semaphore, #tpu.memory_space<semaphore_mem>>)
    %dma_wait3A_103 = arith.constant 0 : i32
    %dma_wait3A_104 = tpu.memref_slice %arg4[%add3A_78, %dma_wait3A_103] : memref<327680x64xf32, #tpu.memory_space<hbm>> -> memref<320x64xf32, #tpu.memory_space<hbm>>
    %dma_wait3A_105 = arith.constant 0 : i32
    %dma_wait3A_106 = tpu.memref_slice %arg4[%add3A_78, %dma_wait3A_105] : memref<327680x64xf32, #tpu.memory_space<hbm>> -> memref<320x64xf32, #tpu.memory_space<hbm>>
    tpu.wait_dma2 semaphore(%arg17 : memref<!tpu.dma_semaphore, #tpu.memory_space<semaphore_mem>>) src(%arg9 : memref<320x64xf32, #tpu.memory_space<vmem>>) dst(%dma_wait3A_106 : memref<320x64xf32, #tpu.memory_space<hbm>>)
    %dma_start3A_107 = arith.constant 2240 : i32
    %dma_start3A_108 = tpu.memref_slice %arg5[%dma_start3A_107] : memref<10240xi32, #tpu.memory_space<vmem>> -> memref<320xi32, #tpu.memory_space<vmem>>
    %dma_start3A_109 = arith.constant 0 : i32
    %dma_start3A_110 = arith.constant 0 : i32
    %dma_start3A_111 = tpu.memref_slice %arg3[%dma_start3A_109, %dma_start3A_110] : memref<1000001x64xf32, #tpu.memory_space<hbm>> -> memref<1000001x64xf32, #tpu.memory_space<hbm>>
    tpu.enqueue_indirect_dma source(%dma_start3A_111 : memref<1000001x64xf32, #tpu.memory_space<hbm>>) target(%arg9 : memref<320x64xf32, #tpu.memory_space<vmem>>) offsets(%dma_start3A_108 : memref<320xi32, #tpu.memory_space<vmem>>) semaphore(%arg13 : memref<!tpu.dma_semaphore, #tpu.memory_space<semaphore_mem>>)
    %dma_wait3A_112 = arith.constant 1600 : i32
    %dma_wait3A_113 = tpu.memref_slice %arg5[%dma_wait3A_112] : memref<10240xi32, #tpu.memory_space<vmem>> -> memref<320xi32, #tpu.memory_space<vmem>>
    %dma_wait3A_114 = arith.constant 0 : i32
    %dma_wait3A_115 = arith.constant 0 : i32
    %dma_wait3A_116 = tpu.memref_slice %arg3[%dma_wait3A_114, %dma_wait3A_115] : memref<1000001x64xf32, #tpu.memory_space<hbm>> -> memref<1000001x64xf32, #tpu.memory_space<hbm>>
    tpu.wait_indirect_dma semaphore(%arg11 : memref<!tpu.dma_semaphore, #tpu.memory_space<semaphore_mem>>) src(%dma_wait3A_116 : memref<1000001x64xf32, #tpu.memory_space<hbm>>) dst(%arg7 : memref<320x64xf32, #tpu.memory_space<vmem>>)
    %add3A_117 = arith.constant 1600 : i32
    %add3A_118 = arith.addi %mul3A_2, %add3A_117 : i32
    %dma_start3A_119 = arith.constant 0 : i32
    %dma_start3A_120 = tpu.memref_slice %arg4[%add3A_118, %dma_start3A_119] : memref<327680x64xf32, #tpu.memory_space<hbm>> -> memref<320x64xf32, #tpu.memory_space<hbm>>
    %dma_start3A_121 = arith.constant 0 : i32
    %dma_start3A_122 = tpu.memref_slice %arg4[%add3A_118, %dma_start3A_121] : memref<327680x64xf32, #tpu.memory_space<hbm>> -> memref<320x64xf32, #tpu.memory_space<hbm>>
    tpu.enqueue_dma source(%arg7 : memref<320x64xf32, #tpu.memory_space<vmem>>) target(%dma_start3A_122 : memref<320x64xf32, #tpu.memory_space<hbm>>) target_semaphore(%arg15 : memref<!tpu.dma_semaphore, #tpu.memory_space<semaphore_mem>>)
    %dma_wait3A_123 = arith.constant 0 : i32
    %dma_wait3A_124 = tpu.memref_slice %arg4[%add3A_98, %dma_wait3A_123] : memref<327680x64xf32, #tpu.memory_space<hbm>> -> memref<320x64xf32, #tpu.memory_space<hbm>>
    %dma_wait3A_125 = arith.constant 0 : i32
    %dma_wait3A_126 = tpu.memref_slice %arg4[%add3A_98, %dma_wait3A_125] : memref<327680x64xf32, #tpu.memory_space<hbm>> -> memref<320x64xf32, #tpu.memory_space<hbm>>
    tpu.wait_dma2 semaphore(%arg14 : memref<!tpu.dma_semaphore, #tpu.memory_space<semaphore_mem>>) src(%arg6 : memref<320x64xf32, #tpu.memory_space<vmem>>) dst(%dma_wait3A_126 : memref<320x64xf32, #tpu.memory_space<hbm>>)
    %dma_start3A_127 = arith.constant 2560 : i32
    %dma_start3A_128 = tpu.memref_slice %arg5[%dma_start3A_127] : memref<10240xi32, #tpu.memory_space<vmem>> -> memref<320xi32, #tpu.memory_space<vmem>>
    %dma_start3A_129 = arith.constant 0 : i32
    %dma_start3A_130 = arith.constant 0 : i32
    %dma_start3A_131 = tpu.memref_slice %arg3[%dma_start3A_129, %dma_start3A_130] : memref<1000001x64xf32, #tpu.memory_space<hbm>> -> memref<1000001x64xf32, #tpu.memory_space<hbm>>
    tpu.enqueue_indirect_dma source(%dma_start3A_131 : memref<1000001x64xf32, #tpu.memory_space<hbm>>) target(%arg6 : memref<320x64xf32, #tpu.memory_space<vmem>>) offsets(%dma_start3A_128 : memref<320xi32, #tpu.memory_space<vmem>>) semaphore(%arg10 : memref<!tpu.dma_semaphore, #tpu.memory_space<semaphore_mem>>)
    %dma_wait3A_132 = arith.constant 1920 : i32
    %dma_wait3A_133 = tpu.memref_slice %arg5[%dma_wait3A_132] : memref<10240xi32, #tpu.memory_space<vmem>> -> memref<320xi32, #tpu.memory_space<vmem>>
    %dma_wait3A_134 = arith.constant 0 : i32
    %dma_wait3A_135 = arith.constant 0 : i32
    %dma_wait3A_136 = tpu.memref_slice %arg3[%dma_wait3A_134, %dma_wait3A_135] : memref<1000001x64xf32, #tpu.memory_space<hbm>> -> memref<1000001x64xf32, #tpu.memory_space<hbm>>
    tpu.wait_indirect_dma semaphore(%arg12 : memref<!tpu.dma_semaphore, #tpu.memory_space<semaphore_mem>>) src(%dma_wait3A_136 : memref<1000001x64xf32, #tpu.memory_space<hbm>>) dst(%arg8 : memref<320x64xf32, #tpu.memory_space<vmem>>)
    %add3A_137 = arith.constant 1920 : i32
    %add3A_138 = arith.addi %mul3A_2, %add3A_137 : i32
    %dma_start3A_139 = arith.constant 0 : i32
    %dma_start3A_140 = tpu.memref_slice %arg4[%add3A_138, %dma_start3A_139] : memref<327680x64xf32, #tpu.memory_space<hbm>> -> memref<320x64xf32, #tpu.memory_space<hbm>>
    %dma_start3A_141 = arith.constant 0 : i32
    %dma_start3A_142 = tpu.memref_slice %arg4[%add3A_138, %dma_start3A_141] : memref<327680x64xf32, #tpu.memory_space<hbm>> -> memref<320x64xf32, #tpu.memory_space<hbm>>
    tpu.enqueue_dma source(%arg8 : memref<320x64xf32, #tpu.memory_space<vmem>>) target(%dma_start3A_142 : memref<320x64xf32, #tpu.memory_space<hbm>>) target_semaphore(%arg16 : memref<!tpu.dma_semaphore, #tpu.memory_space<semaphore_mem>>)
    %dma_wait3A_143 = arith.constant 0 : i32
    %dma_wait3A_144 = tpu.memref_slice %arg4[%add3A_118, %dma_wait3A_143] : memref<327680x64xf32, #tpu.memory_space<hbm>> -> memref<320x64xf32, #tpu.memory_space<hbm>>
    %dma_wait3A_145 = arith.constant 0 : i32
    %dma_wait3A_146 = tpu.memref_slice %arg4[%add3A_118, %dma_wait3A_145] : memref<327680x64xf32, #tpu.memory_space<hbm>> -> memref<320x64xf32, #tpu.memory_space<hbm>>
    tpu.wait_dma2 semaphore(%arg15 : memref<!tpu.dma_semaphore, #tpu.memory_space<semaphore_mem>>) src(%arg7 : memref<320x64xf32, #tpu.memory_space<vmem>>) dst(%dma_wait3A_146 : memref<320x64xf32, #tpu.memory_space<hbm>>)
    %dma_start3A_147 = arith.constant 2880 : i32
    %dma_start3A_148 = tpu.memref_slice %arg5[%dma_start3A_147] : memref<10240xi32, #tpu.memory_space<vmem>> -> memref<320xi32, #tpu.memory_space<vmem>>
    %dma_start3A_149 = arith.constant 0 : i32
    %dma_start3A_150 = arith.constant 0 : i32
    %dma_start3A_151 = tpu.memref_slice %arg3[%dma_start3A_149, %dma_start3A_150] : memref<1000001x64xf32, #tpu.memory_space<hbm>> -> memref<1000001x64xf32, #tpu.memory_space<hbm>>
    tpu.enqueue_indirect_dma source(%dma_start3A_151 : memref<1000001x64xf32, #tpu.memory_space<hbm>>) target(%arg7 : memref<320x64xf32, #tpu.memory_space<vmem>>) offsets(%dma_start3A_148 : memref<320xi32, #tpu.memory_space<vmem>>) semaphore(%arg11 : memref<!tpu.dma_semaphore, #tpu.memory_space<semaphore_mem>>)
    %dma_wait3A_152 = arith.constant 2240 : i32
    %dma_wait3A_153 = tpu.memref_slice %arg5[%dma_wait3A_152] : memref<10240xi32, #tpu.memory_space<vmem>> -> memref<320xi32, #tpu.memory_space<vmem>>
    %dma_wait3A_154 = arith.constant 0 : i32
    %dma_wait3A_155 = arith.constant 0 : i32
    %dma_wait3A_156 = tpu.memref_slice %arg3[%dma_wait3A_154, %dma_wait3A_155] : memref<1000001x64xf32, #tpu.memory_space<hbm>> -> memref<1000001x64xf32, #tpu.memory_space<hbm>>
    tpu.wait_indirect_dma semaphore(%arg13 : memref<!tpu.dma_semaphore, #tpu.memory_space<semaphore_mem>>) src(%dma_wait3A_156 : memref<1000001x64xf32, #tpu.memory_space<hbm>>) dst(%arg9 : memref<320x64xf32, #tpu.memory_space<vmem>>)
    %add3A_157 = arith.constant 2240 : i32
    %add3A_158 = arith.addi %mul3A_2, %add3A_157 : i32
    %dma_start3A_159 = arith.constant 0 : i32
    %dma_start3A_160 = tpu.memref_slice %arg4[%add3A_158, %dma_start3A_159] : memref<327680x64xf32, #tpu.memory_space<hbm>> -> memref<320x64xf32, #tpu.memory_space<hbm>>
    %dma_start3A_161 = arith.constant 0 : i32
    %dma_start3A_162 = tpu.memref_slice %arg4[%add3A_158, %dma_start3A_161] : memref<327680x64xf32, #tpu.memory_space<hbm>> -> memref<320x64xf32, #tpu.memory_space<hbm>>
    tpu.enqueue_dma source(%arg9 : memref<320x64xf32, #tpu.memory_space<vmem>>) target(%dma_start3A_162 : memref<320x64xf32, #tpu.memory_space<hbm>>) target_semaphore(%arg17 : memref<!tpu.dma_semaphore, #tpu.memory_space<semaphore_mem>>)
    %dma_wait3A_163 = arith.constant 0 : i32
    %dma_wait3A_164 = tpu.memref_slice %arg4[%add3A_138, %dma_wait3A_163] : memref<327680x64xf32, #tpu.memory_space<hbm>> -> memref<320x64xf32, #tpu.memory_space<hbm>>
    %dma_wait3A_165 = arith.constant 0 : i32
    %dma_wait3A_166 = tpu.memref_slice %arg4[%add3A_138, %dma_wait3A_165] : memref<327680x64xf32, #tpu.memory_space<hbm>> -> memref<320x64xf32, #tpu.memory_space<hbm>>
    tpu.wait_dma2 semaphore(%arg16 : memref<!tpu.dma_semaphore, #tpu.memory_space<semaphore_mem>>) src(%arg8 : memref<320x64xf32, #tpu.memory_space<vmem>>) dst(%dma_wait3A_166 : memref<320x64xf32, #tpu.memory_space<hbm>>)
    %dma_start3A_167 = arith.constant 3200 : i32
    %dma_start3A_168 = tpu.memref_slice %arg5[%dma_start3A_167] : memref<10240xi32, #tpu.memory_space<vmem>> -> memref<320xi32, #tpu.memory_space<vmem>>
    %dma_start3A_169 = arith.constant 0 : i32
    %dma_start3A_170 = arith.constant 0 : i32
    %dma_start3A_171 = tpu.memref_slice %arg3[%dma_start3A_169, %dma_start3A_170] : memref<1000001x64xf32, #tpu.memory_space<hbm>> -> memref<1000001x64xf32, #tpu.memory_space<hbm>>
    tpu.enqueue_indirect_dma source(%dma_start3A_171 : memref<1000001x64xf32, #tpu.memory_space<hbm>>) target(%arg8 : memref<320x64xf32, #tpu.memory_space<vmem>>) offsets(%dma_start3A_168 : memref<320xi32, #tpu.memory_space<vmem>>) semaphore(%arg12 : memref<!tpu.dma_semaphore, #tpu.memory_space<semaphore_mem>>)
    %dma_wait3A_172 = arith.constant 2560 : i32
    %dma_wait3A_173 = tpu.memref_slice %arg5[%dma_wait3A_172] : memref<10240xi32, #tpu.memory_space<vmem>> -> memref<320xi32, #tpu.memory_space<vmem>>
    %dma_wait3A_174 = arith.constant 0 : i32
    %dma_wait3A_175 = arith.constant 0 : i32
    %dma_wait3A_176 = tpu.memref_slice %arg3[%dma_wait3A_174, %dma_wait3A_175] : memref<1000001x64xf32, #tpu.memory_space<hbm>> -> memref<1000001x64xf32, #tpu.memory_space<hbm>>
    tpu.wait_indirect_dma semaphore(%arg10 : memref<!tpu.dma_semaphore, #tpu.memory_space<semaphore_mem>>) src(%dma_wait3A_176 : memref<1000001x64xf32, #tpu.memory_space<hbm>>) dst(%arg6 : memref<320x64xf32, #tpu.memory_space<vmem>>)
    %add3A_177 = arith.constant 2560 : i32
    %add3A_178 = arith.addi %mul3A_2, %add3A_177 : i32
    %dma_start3A_179 = arith.constant 0 : i32
    %dma_start3A_180 = tpu.memref_slice %arg4[%add3A_178, %dma_start3A_179] : memref<327680x64xf32, #tpu.memory_space<hbm>> -> memref<320x64xf32, #tpu.memory_space<hbm>>
    %dma_start3A_181 = arith.constant 0 : i32
    %dma_start3A_182 = tpu.memref_slice %arg4[%add3A_178, %dma_start3A_181] : memref<327680x64xf32, #tpu.memory_space<hbm>> -> memref<320x64xf32, #tpu.memory_space<hbm>>
    tpu.enqueue_dma source(%arg6 : memref<320x64xf32, #tpu.memory_space<vmem>>) target(%dma_start3A_182 : memref<320x64xf32, #tpu.memory_space<hbm>>) target_semaphore(%arg14 : memref<!tpu.dma_semaphore, #tpu.memory_space<semaphore_mem>>)
    %dma_wait3A_183 = arith.constant 0 : i32
    %dma_wait3A_184 = tpu.memref_slice %arg4[%add3A_158, %dma_wait3A_183] : memref<327680x64xf32, #tpu.memory_space<hbm>> -> memref<320x64xf32, #tpu.memory_space<hbm>>
    %dma_wait3A_185 = arith.constant 0 : i32
    %dma_wait3A_186 = tpu.memref_slice %arg4[%add3A_158, %dma_wait3A_185] : memref<327680x64xf32, #tpu.memory_space<hbm>> -> memref<320x64xf32, #tpu.memory_space<hbm>>
    tpu.wait_dma2 semaphore(%arg17 : memref<!tpu.dma_semaphore, #tpu.memory_space<semaphore_mem>>) src(%arg9 : memref<320x64xf32, #tpu.memory_space<vmem>>) dst(%dma_wait3A_186 : memref<320x64xf32, #tpu.memory_space<hbm>>)
    %dma_start3A_187 = arith.constant 3520 : i32
    %dma_start3A_188 = tpu.memref_slice %arg5[%dma_start3A_187] : memref<10240xi32, #tpu.memory_space<vmem>> -> memref<320xi32, #tpu.memory_space<vmem>>
    %dma_start3A_189 = arith.constant 0 : i32
    %dma_start3A_190 = arith.constant 0 : i32
    %dma_start3A_191 = tpu.memref_slice %arg3[%dma_start3A_189, %dma_start3A_190] : memref<1000001x64xf32, #tpu.memory_space<hbm>> -> memref<1000001x64xf32, #tpu.memory_space<hbm>>
    tpu.enqueue_indirect_dma source(%dma_start3A_191 : memref<1000001x64xf32, #tpu.memory_space<hbm>>) target(%arg9 : memref<320x64xf32, #tpu.memory_space<vmem>>) offsets(%dma_start3A_188 : memref<320xi32, #tpu.memory_space<vmem>>) semaphore(%arg13 : memref<!tpu.dma_semaphore, #tpu.memory_space<semaphore_mem>>)
    %dma_wait3A_192 = arith.constant 2880 : i32
    %dma_wait3A_193 = tpu.memref_slice %arg5[%dma_wait3A_192] : memref<10240xi32, #tpu.memory_space<vmem>> -> memref<320xi32, #tpu.memory_space<vmem>>
    %dma_wait3A_194 = arith.constant 0 : i32
    %dma_wait3A_195 = arith.constant 0 : i32
    %dma_wait3A_196 = tpu.memref_slice %arg3[%dma_wait3A_194, %dma_wait3A_195] : memref<1000001x64xf32, #tpu.memory_space<hbm>> -> memref<1000001x64xf32, #tpu.memory_space<hbm>>
    tpu.wait_indirect_dma semaphore(%arg11 : memref<!tpu.dma_semaphore, #tpu.memory_space<semaphore_mem>>) src(%dma_wait3A_196 : memref<1000001x64xf32, #tpu.memory_space<hbm>>) dst(%arg7 : memref<320x64xf32, #tpu.memory_space<vmem>>)
    %add3A_197 = arith.constant 2880 : i32
    %add3A_198 = arith.addi %mul3A_2, %add3A_197 : i32
    %dma_start3A_199 = arith.constant 0 : i32
    %dma_start3A_200 = tpu.memref_slice %arg4[%add3A_198, %dma_start3A_199] : memref<327680x64xf32, #tpu.memory_space<hbm>> -> memref<320x64xf32, #tpu.memory_space<hbm>>
    %dma_start3A_201 = arith.constant 0 : i32
    %dma_start3A_202 = tpu.memref_slice %arg4[%add3A_198, %dma_start3A_201] : memref<327680x64xf32, #tpu.memory_space<hbm>> -> memref<320x64xf32, #tpu.memory_space<hbm>>
    tpu.enqueue_dma source(%arg7 : memref<320x64xf32, #tpu.memory_space<vmem>>) target(%dma_start3A_202 : memref<320x64xf32, #tpu.memory_space<hbm>>) target_semaphore(%arg15 : memref<!tpu.dma_semaphore, #tpu.memory_space<semaphore_mem>>)
    %dma_wait3A_203 = arith.constant 0 : i32
    %dma_wait3A_204 = tpu.memref_slice %arg4[%add3A_178, %dma_wait3A_203] : memref<327680x64xf32, #tpu.memory_space<hbm>> -> memref<320x64xf32, #tpu.memory_space<hbm>>
    %dma_wait3A_205 = arith.constant 0 : i32
    %dma_wait3A_206 = tpu.memref_slice %arg4[%add3A_178, %dma_wait3A_205] : memref<327680x64xf32, #tpu.memory_space<hbm>> -> memref<320x64xf32, #tpu.memory_space<hbm>>
    tpu.wait_dma2 semaphore(%arg14 : memref<!tpu.dma_semaphore, #tpu.memory_space<semaphore_mem>>) src(%arg6 : memref<320x64xf32, #tpu.memory_space<vmem>>) dst(%dma_wait3A_206 : memref<320x64xf32, #tpu.memory_space<hbm>>)
    %dma_start3A_207 = arith.constant 3840 : i32
    %dma_start3A_208 = tpu.memref_slice %arg5[%dma_start3A_207] : memref<10240xi32, #tpu.memory_space<vmem>> -> memref<320xi32, #tpu.memory_space<vmem>>
    %dma_start3A_209 = arith.constant 0 : i32
    %dma_start3A_210 = arith.constant 0 : i32
    %dma_start3A_211 = tpu.memref_slice %arg3[%dma_start3A_209, %dma_start3A_210] : memref<1000001x64xf32, #tpu.memory_space<hbm>> -> memref<1000001x64xf32, #tpu.memory_space<hbm>>
    tpu.enqueue_indirect_dma source(%dma_start3A_211 : memref<1000001x64xf32, #tpu.memory_space<hbm>>) target(%arg6 : memref<320x64xf32, #tpu.memory_space<vmem>>) offsets(%dma_start3A_208 : memref<320xi32, #tpu.memory_space<vmem>>) semaphore(%arg10 : memref<!tpu.dma_semaphore, #tpu.memory_space<semaphore_mem>>)
    %dma_wait3A_212 = arith.constant 3200 : i32
    %dma_wait3A_213 = tpu.memref_slice %arg5[%dma_wait3A_212] : memref<10240xi32, #tpu.memory_space<vmem>> -> memref<320xi32, #tpu.memory_space<vmem>>
    %dma_wait3A_214 = arith.constant 0 : i32
    %dma_wait3A_215 = arith.constant 0 : i32
    %dma_wait3A_216 = tpu.memref_slice %arg3[%dma_wait3A_214, %dma_wait3A_215] : memref<1000001x64xf32, #tpu.memory_space<hbm>> -> memref<1000001x64xf32, #tpu.memory_space<hbm>>
    tpu.wait_indirect_dma semaphore(%arg12 : memref<!tpu.dma_semaphore, #tpu.memory_space<semaphore_mem>>) src(%dma_wait3A_216 : memref<1000001x64xf32, #tpu.memory_space<hbm>>) dst(%arg8 : memref<320x64xf32, #tpu.memory_space<vmem>>)
    %add3A_217 = arith.constant 3200 : i32
    %add3A_218 = arith.addi %mul3A_2, %add3A_217 : i32
    %dma_start3A_219 = arith.constant 0 : i32
    %dma_start3A_220 = tpu.memref_slice %arg4[%add3A_218, %dma_start3A_219] : memref<327680x64xf32, #tpu.memory_space<hbm>> -> memref<320x64xf32, #tpu.memory_space<hbm>>
    %dma_start3A_221 = arith.constant 0 : i32
    %dma_start3A_222 = tpu.memref_slice %arg4[%add3A_218, %dma_start3A_221] : memref<327680x64xf32, #tpu.memory_space<hbm>> -> memref<320x64xf32, #tpu.memory_space<hbm>>
    tpu.enqueue_dma source(%arg8 : memref<320x64xf32, #tpu.memory_space<vmem>>) target(%dma_start3A_222 : memref<320x64xf32, #tpu.memory_space<hbm>>) target_semaphore(%arg16 : memref<!tpu.dma_semaphore, #tpu.memory_space<semaphore_mem>>)
    %dma_wait3A_223 = arith.constant 0 : i32
    %dma_wait3A_224 = tpu.memref_slice %arg4[%add3A_198, %dma_wait3A_223] : memref<327680x64xf32, #tpu.memory_space<hbm>> -> memref<320x64xf32, #tpu.memory_space<hbm>>
    %dma_wait3A_225 = arith.constant 0 : i32
    %dma_wait3A_226 = tpu.memref_slice %arg4[%add3A_198, %dma_wait3A_225] : memref<327680x64xf32, #tpu.memory_space<hbm>> -> memref<320x64xf32, #tpu.memory_space<hbm>>
    tpu.wait_dma2 semaphore(%arg15 : memref<!tpu.dma_semaphore, #tpu.memory_space<semaphore_mem>>) src(%arg7 : memref<320x64xf32, #tpu.memory_space<vmem>>) dst(%dma_wait3A_226 : memref<320x64xf32, #tpu.memory_space<hbm>>)
    %dma_start3A_227 = arith.constant 4160 : i32
    %dma_start3A_228 = tpu.memref_slice %arg5[%dma_start3A_227] : memref<10240xi32, #tpu.memory_space<vmem>> -> memref<320xi32, #tpu.memory_space<vmem>>
    %dma_start3A_229 = arith.constant 0 : i32
    %dma_start3A_230 = arith.constant 0 : i32
    %dma_start3A_231 = tpu.memref_slice %arg3[%dma_start3A_229, %dma_start3A_230] : memref<1000001x64xf32, #tpu.memory_space<hbm>> -> memref<1000001x64xf32, #tpu.memory_space<hbm>>
    tpu.enqueue_indirect_dma source(%dma_start3A_231 : memref<1000001x64xf32, #tpu.memory_space<hbm>>) target(%arg7 : memref<320x64xf32, #tpu.memory_space<vmem>>) offsets(%dma_start3A_228 : memref<320xi32, #tpu.memory_space<vmem>>) semaphore(%arg11 : memref<!tpu.dma_semaphore, #tpu.memory_space<semaphore_mem>>)
    %dma_wait3A_232 = arith.constant 3520 : i32
    %dma_wait3A_233 = tpu.memref_slice %arg5[%dma_wait3A_232] : memref<10240xi32, #tpu.memory_space<vmem>> -> memref<320xi32, #tpu.memory_space<vmem>>
    %dma_wait3A_234 = arith.constant 0 : i32
    %dma_wait3A_235 = arith.constant 0 : i32
    %dma_wait3A_236 = tpu.memref_slice %arg3[%dma_wait3A_234, %dma_wait3A_235] : memref<1000001x64xf32, #tpu.memory_space<hbm>> -> memref<1000001x64xf32, #tpu.memory_space<hbm>>
    tpu.wait_indirect_dma semaphore(%arg13 : memref<!tpu.dma_semaphore, #tpu.memory_space<semaphore_mem>>) src(%dma_wait3A_236 : memref<1000001x64xf32, #tpu.memory_space<hbm>>) dst(%arg9 : memref<320x64xf32, #tpu.memory_space<vmem>>)
    %add3A_237 = arith.constant 3520 : i32
    %add3A_238 = arith.addi %mul3A_2, %add3A_237 : i32
    %dma_start3A_239 = arith.constant 0 : i32
    %dma_start3A_240 = tpu.memref_slice %arg4[%add3A_238, %dma_start3A_239] : memref<327680x64xf32, #tpu.memory_space<hbm>> -> memref<320x64xf32, #tpu.memory_space<hbm>>
    %dma_start3A_241 = arith.constant 0 : i32
    %dma_start3A_242 = tpu.memref_slice %arg4[%add3A_238, %dma_start3A_241] : memref<327680x64xf32, #tpu.memory_space<hbm>> -> memref<320x64xf32, #tpu.memory_space<hbm>>
    tpu.enqueue_dma source(%arg9 : memref<320x64xf32, #tpu.memory_space<vmem>>) target(%dma_start3A_242 : memref<320x64xf32, #tpu.memory_space<hbm>>) target_semaphore(%arg17 : memref<!tpu.dma_semaphore, #tpu.memory_space<semaphore_mem>>)
    %dma_wait3A_243 = arith.constant 0 : i32
    %dma_wait3A_244 = tpu.memref_slice %arg4[%add3A_218, %dma_wait3A_243] : memref<327680x64xf32, #tpu.memory_space<hbm>> -> memref<320x64xf32, #tpu.memory_space<hbm>>
    %dma_wait3A_245 = arith.constant 0 : i32
    %dma_wait3A_246 = tpu.memref_slice %arg4[%add3A_218, %dma_wait3A_245] : memref<327680x64xf32, #tpu.memory_space<hbm>> -> memref<320x64xf32, #tpu.memory_space<hbm>>
    tpu.wait_dma2 semaphore(%arg16 : memref<!tpu.dma_semaphore, #tpu.memory_space<semaphore_mem>>) src(%arg8 : memref<320x64xf32, #tpu.memory_space<vmem>>) dst(%dma_wait3A_246 : memref<320x64xf32, #tpu.memory_space<hbm>>)
    %dma_start3A_247 = arith.constant 4480 : i32
    %dma_start3A_248 = tpu.memref_slice %arg5[%dma_start3A_247] : memref<10240xi32, #tpu.memory_space<vmem>> -> memref<320xi32, #tpu.memory_space<vmem>>
    %dma_start3A_249 = arith.constant 0 : i32
    %dma_start3A_250 = arith.constant 0 : i32
    %dma_start3A_251 = tpu.memref_slice %arg3[%dma_start3A_249, %dma_start3A_250] : memref<1000001x64xf32, #tpu.memory_space<hbm>> -> memref<1000001x64xf32, #tpu.memory_space<hbm>>
    tpu.enqueue_indirect_dma source(%dma_start3A_251 : memref<1000001x64xf32, #tpu.memory_space<hbm>>) target(%arg8 : memref<320x64xf32, #tpu.memory_space<vmem>>) offsets(%dma_start3A_248 : memref<320xi32, #tpu.memory_space<vmem>>) semaphore(%arg12 : memref<!tpu.dma_semaphore, #tpu.memory_space<semaphore_mem>>)
    %dma_wait3A_252 = arith.constant 3840 : i32
    %dma_wait3A_253 = tpu.memref_slice %arg5[%dma_wait3A_252] : memref<10240xi32, #tpu.memory_space<vmem>> -> memref<320xi32, #tpu.memory_space<vmem>>
    %dma_wait3A_254 = arith.constant 0 : i32
    %dma_wait3A_255 = arith.constant 0 : i32
    %dma_wait3A_256 = tpu.memref_slice %arg3[%dma_wait3A_254, %dma_wait3A_255] : memref<1000001x64xf32, #tpu.memory_space<hbm>> -> memref<1000001x64xf32, #tpu.memory_space<hbm>>
    tpu.wait_indirect_dma semaphore(%arg10 : memref<!tpu.dma_semaphore, #tpu.memory_space<semaphore_mem>>) src(%dma_wait3A_256 : memref<1000001x64xf32, #tpu.memory_space<hbm>>) dst(%arg6 : memref<320x64xf32, #tpu.memory_space<vmem>>)
    %add3A_257 = arith.constant 3840 : i32
    %add3A_258 = arith.addi %mul3A_2, %add3A_257 : i32
    %dma_start3A_259 = arith.constant 0 : i32
    %dma_start3A_260 = tpu.memref_slice %arg4[%add3A_258, %dma_start3A_259] : memref<327680x64xf32, #tpu.memory_space<hbm>> -> memref<320x64xf32, #tpu.memory_space<hbm>>
    %dma_start3A_261 = arith.constant 0 : i32
    %dma_start3A_262 = tpu.memref_slice %arg4[%add3A_258, %dma_start3A_261] : memref<327680x64xf32, #tpu.memory_space<hbm>> -> memref<320x64xf32, #tpu.memory_space<hbm>>
    tpu.enqueue_dma source(%arg6 : memref<320x64xf32, #tpu.memory_space<vmem>>) target(%dma_start3A_262 : memref<320x64xf32, #tpu.memory_space<hbm>>) target_semaphore(%arg14 : memref<!tpu.dma_semaphore, #tpu.memory_space<semaphore_mem>>)
    %dma_wait3A_263 = arith.constant 0 : i32
    %dma_wait3A_264 = tpu.memref_slice %arg4[%add3A_238, %dma_wait3A_263] : memref<327680x64xf32, #tpu.memory_space<hbm>> -> memref<320x64xf32, #tpu.memory_space<hbm>>
    %dma_wait3A_265 = arith.constant 0 : i32
    %dma_wait3A_266 = tpu.memref_slice %arg4[%add3A_238, %dma_wait3A_265] : memref<327680x64xf32, #tpu.memory_space<hbm>> -> memref<320x64xf32, #tpu.memory_space<hbm>>
    tpu.wait_dma2 semaphore(%arg17 : memref<!tpu.dma_semaphore, #tpu.memory_space<semaphore_mem>>) src(%arg9 : memref<320x64xf32, #tpu.memory_space<vmem>>) dst(%dma_wait3A_266 : memref<320x64xf32, #tpu.memory_space<hbm>>)
    %dma_start3A_267 = arith.constant 4800 : i32
    %dma_start3A_268 = tpu.memref_slice %arg5[%dma_start3A_267] : memref<10240xi32, #tpu.memory_space<vmem>> -> memref<320xi32, #tpu.memory_space<vmem>>
    %dma_start3A_269 = arith.constant 0 : i32
    %dma_start3A_270 = arith.constant 0 : i32
    %dma_start3A_271 = tpu.memref_slice %arg3[%dma_start3A_269, %dma_start3A_270] : memref<1000001x64xf32, #tpu.memory_space<hbm>> -> memref<1000001x64xf32, #tpu.memory_space<hbm>>
    tpu.enqueue_indirect_dma source(%dma_start3A_271 : memref<1000001x64xf32, #tpu.memory_space<hbm>>) target(%arg9 : memref<320x64xf32, #tpu.memory_space<vmem>>) offsets(%dma_start3A_268 : memref<320xi32, #tpu.memory_space<vmem>>) semaphore(%arg13 : memref<!tpu.dma_semaphore, #tpu.memory_space<semaphore_mem>>)
    %dma_wait3A_272 = arith.constant 4160 : i32
    %dma_wait3A_273 = tpu.memref_slice %arg5[%dma_wait3A_272] : memref<10240xi32, #tpu.memory_space<vmem>> -> memref<320xi32, #tpu.memory_space<vmem>>
    %dma_wait3A_274 = arith.constant 0 : i32
    %dma_wait3A_275 = arith.constant 0 : i32
    %dma_wait3A_276 = tpu.memref_slice %arg3[%dma_wait3A_274, %dma_wait3A_275] : memref<1000001x64xf32, #tpu.memory_space<hbm>> -> memref<1000001x64xf32, #tpu.memory_space<hbm>>
    tpu.wait_indirect_dma semaphore(%arg11 : memref<!tpu.dma_semaphore, #tpu.memory_space<semaphore_mem>>) src(%dma_wait3A_276 : memref<1000001x64xf32, #tpu.memory_space<hbm>>) dst(%arg7 : memref<320x64xf32, #tpu.memory_space<vmem>>)
    %add3A_277 = arith.constant 4160 : i32
    %add3A_278 = arith.addi %mul3A_2, %add3A_277 : i32
    %dma_start3A_279 = arith.constant 0 : i32
    %dma_start3A_280 = tpu.memref_slice %arg4[%add3A_278, %dma_start3A_279] : memref<327680x64xf32, #tpu.memory_space<hbm>> -> memref<320x64xf32, #tpu.memory_space<hbm>>
    %dma_start3A_281 = arith.constant 0 : i32
    %dma_start3A_282 = tpu.memref_slice %arg4[%add3A_278, %dma_start3A_281] : memref<327680x64xf32, #tpu.memory_space<hbm>> -> memref<320x64xf32, #tpu.memory_space<hbm>>
    tpu.enqueue_dma source(%arg7 : memref<320x64xf32, #tpu.memory_space<vmem>>) target(%dma_start3A_282 : memref<320x64xf32, #tpu.memory_space<hbm>>) target_semaphore(%arg15 : memref<!tpu.dma_semaphore, #tpu.memory_space<semaphore_mem>>)
    %dma_wait3A_283 = arith.constant 0 : i32
    %dma_wait3A_284 = tpu.memref_slice %arg4[%add3A_258, %dma_wait3A_283] : memref<327680x64xf32, #tpu.memory_space<hbm>> -> memref<320x64xf32, #tpu.memory_space<hbm>>
    %dma_wait3A_285 = arith.constant 0 : i32
    %dma_wait3A_286 = tpu.memref_slice %arg4[%add3A_258, %dma_wait3A_285] : memref<327680x64xf32, #tpu.memory_space<hbm>> -> memref<320x64xf32, #tpu.memory_space<hbm>>
    tpu.wait_dma2 semaphore(%arg14 : memref<!tpu.dma_semaphore, #tpu.memory_space<semaphore_mem>>) src(%arg6 : memref<320x64xf32, #tpu.memory_space<vmem>>) dst(%dma_wait3A_286 : memref<320x64xf32, #tpu.memory_space<hbm>>)
    %dma_start3A_287 = arith.constant 5120 : i32
    %dma_start3A_288 = tpu.memref_slice %arg5[%dma_start3A_287] : memref<10240xi32, #tpu.memory_space<vmem>> -> memref<320xi32, #tpu.memory_space<vmem>>
    %dma_start3A_289 = arith.constant 0 : i32
    %dma_start3A_290 = arith.constant 0 : i32
    %dma_start3A_291 = tpu.memref_slice %arg3[%dma_start3A_289, %dma_start3A_290] : memref<1000001x64xf32, #tpu.memory_space<hbm>> -> memref<1000001x64xf32, #tpu.memory_space<hbm>>
    tpu.enqueue_indirect_dma source(%dma_start3A_291 : memref<1000001x64xf32, #tpu.memory_space<hbm>>) target(%arg6 : memref<320x64xf32, #tpu.memory_space<vmem>>) offsets(%dma_start3A_288 : memref<320xi32, #tpu.memory_space<vmem>>) semaphore(%arg10 : memref<!tpu.dma_semaphore, #tpu.memory_space<semaphore_mem>>)
    %dma_wait3A_292 = arith.constant 4480 : i32
    %dma_wait3A_293 = tpu.memref_slice %arg5[%dma_wait3A_292] : memref<10240xi32, #tpu.memory_space<vmem>> -> memref<320xi32, #tpu.memory_space<vmem>>
    %dma_wait3A_294 = arith.constant 0 : i32
    %dma_wait3A_295 = arith.constant 0 : i32
    %dma_wait3A_296 = tpu.memref_slice %arg3[%dma_wait3A_294, %dma_wait3A_295] : memref<1000001x64xf32, #tpu.memory_space<hbm>> -> memref<1000001x64xf32, #tpu.memory_space<hbm>>
    tpu.wait_indirect_dma semaphore(%arg12 : memref<!tpu.dma_semaphore, #tpu.memory_space<semaphore_mem>>) src(%dma_wait3A_296 : memref<1000001x64xf32, #tpu.memory_space<hbm>>) dst(%arg8 : memref<320x64xf32, #tpu.memory_space<vmem>>)
    %add3A_297 = arith.constant 4480 : i32
    %add3A_298 = arith.addi %mul3A_2, %add3A_297 : i32
    %dma_start3A_299 = arith.constant 0 : i32
    %dma_start3A_300 = tpu.memref_slice %arg4[%add3A_298, %dma_start3A_299] : memref<327680x64xf32, #tpu.memory_space<hbm>> -> memref<320x64xf32, #tpu.memory_space<hbm>>
    %dma_start3A_301 = arith.constant 0 : i32
    %dma_start3A_302 = tpu.memref_slice %arg4[%add3A_298, %dma_start3A_301] : memref<327680x64xf32, #tpu.memory_space<hbm>> -> memref<320x64xf32, #tpu.memory_space<hbm>>
    tpu.enqueue_dma source(%arg8 : memref<320x64xf32, #tpu.memory_space<vmem>>) target(%dma_start3A_302 : memref<320x64xf32, #tpu.memory_space<hbm>>) target_semaphore(%arg16 : memref<!tpu.dma_semaphore, #tpu.memory_space<semaphore_mem>>)
    %dma_wait3A_303 = arith.constant 0 : i32
    %dma_wait3A_304 = tpu.memref_slice %arg4[%add3A_278, %dma_wait3A_303] : memref<327680x64xf32, #tpu.memory_space<hbm>> -> memref<320x64xf32, #tpu.memory_space<hbm>>
    %dma_wait3A_305 = arith.constant 0 : i32
    %dma_wait3A_306 = tpu.memref_slice %arg4[%add3A_278, %dma_wait3A_305] : memref<327680x64xf32, #tpu.memory_space<hbm>> -> memref<320x64xf32, #tpu.memory_space<hbm>>
    tpu.wait_dma2 semaphore(%arg15 : memref<!tpu.dma_semaphore, #tpu.memory_space<semaphore_mem>>) src(%arg7 : memref<320x64xf32, #tpu.memory_space<vmem>>) dst(%dma_wait3A_306 : memref<320x64xf32, #tpu.memory_space<hbm>>)
    %dma_start3A_307 = arith.constant 5440 : i32
    %dma_start3A_308 = tpu.memref_slice %arg5[%dma_start3A_307] : memref<10240xi32, #tpu.memory_space<vmem>> -> memref<320xi32, #tpu.memory_space<vmem>>
    %dma_start3A_309 = arith.constant 0 : i32
    %dma_start3A_310 = arith.constant 0 : i32
    %dma_start3A_311 = tpu.memref_slice %arg3[%dma_start3A_309, %dma_start3A_310] : memref<1000001x64xf32, #tpu.memory_space<hbm>> -> memref<1000001x64xf32, #tpu.memory_space<hbm>>
    tpu.enqueue_indirect_dma source(%dma_start3A_311 : memref<1000001x64xf32, #tpu.memory_space<hbm>>) target(%arg7 : memref<320x64xf32, #tpu.memory_space<vmem>>) offsets(%dma_start3A_308 : memref<320xi32, #tpu.memory_space<vmem>>) semaphore(%arg11 : memref<!tpu.dma_semaphore, #tpu.memory_space<semaphore_mem>>)
    %dma_wait3A_312 = arith.constant 4800 : i32
    %dma_wait3A_313 = tpu.memref_slice %arg5[%dma_wait3A_312] : memref<10240xi32, #tpu.memory_space<vmem>> -> memref<320xi32, #tpu.memory_space<vmem>>
    %dma_wait3A_314 = arith.constant 0 : i32
    %dma_wait3A_315 = arith.constant 0 : i32
    %dma_wait3A_316 = tpu.memref_slice %arg3[%dma_wait3A_314, %dma_wait3A_315] : memref<1000001x64xf32, #tpu.memory_space<hbm>> -> memref<1000001x64xf32, #tpu.memory_space<hbm>>
    tpu.wait_indirect_dma semaphore(%arg13 : memref<!tpu.dma_semaphore, #tpu.memory_space<semaphore_mem>>) src(%dma_wait3A_316 : memref<1000001x64xf32, #tpu.memory_space<hbm>>) dst(%arg9 : memref<320x64xf32, #tpu.memory_space<vmem>>)
    %add3A_317 = arith.constant 4800 : i32
    %add3A_318 = arith.addi %mul3A_2, %add3A_317 : i32
    %dma_start3A_319 = arith.constant 0 : i32
    %dma_start3A_320 = tpu.memref_slice %arg4[%add3A_318, %dma_start3A_319] : memref<327680x64xf32, #tpu.memory_space<hbm>> -> memref<320x64xf32, #tpu.memory_space<hbm>>
    %dma_start3A_321 = arith.constant 0 : i32
    %dma_start3A_322 = tpu.memref_slice %arg4[%add3A_318, %dma_start3A_321] : memref<327680x64xf32, #tpu.memory_space<hbm>> -> memref<320x64xf32, #tpu.memory_space<hbm>>
    tpu.enqueue_dma source(%arg9 : memref<320x64xf32, #tpu.memory_space<vmem>>) target(%dma_start3A_322 : memref<320x64xf32, #tpu.memory_space<hbm>>) target_semaphore(%arg17 : memref<!tpu.dma_semaphore, #tpu.memory_space<semaphore_mem>>)
    %dma_wait3A_323 = arith.constant 0 : i32
    %dma_wait3A_324 = tpu.memref_slice %arg4[%add3A_298, %dma_wait3A_323] : memref<327680x64xf32, #tpu.memory_space<hbm>> -> memref<320x64xf32, #tpu.memory_space<hbm>>
    %dma_wait3A_325 = arith.constant 0 : i32
    %dma_wait3A_326 = tpu.memref_slice %arg4[%add3A_298, %dma_wait3A_325] : memref<327680x64xf32, #tpu.memory_space<hbm>> -> memref<320x64xf32, #tpu.memory_space<hbm>>
    tpu.wait_dma2 semaphore(%arg16 : memref<!tpu.dma_semaphore, #tpu.memory_space<semaphore_mem>>) src(%arg8 : memref<320x64xf32, #tpu.memory_space<vmem>>) dst(%dma_wait3A_326 : memref<320x64xf32, #tpu.memory_space<hbm>>)
    %dma_start3A_327 = arith.constant 5760 : i32
    %dma_start3A_328 = tpu.memref_slice %arg5[%dma_start3A_327] : memref<10240xi32, #tpu.memory_space<vmem>> -> memref<320xi32, #tpu.memory_space<vmem>>
    %dma_start3A_329 = arith.constant 0 : i32
    %dma_start3A_330 = arith.constant 0 : i32
    %dma_start3A_331 = tpu.memref_slice %arg3[%dma_start3A_329, %dma_start3A_330] : memref<1000001x64xf32, #tpu.memory_space<hbm>> -> memref<1000001x64xf32, #tpu.memory_space<hbm>>
    tpu.enqueue_indirect_dma source(%dma_start3A_331 : memref<1000001x64xf32, #tpu.memory_space<hbm>>) target(%arg8 : memref<320x64xf32, #tpu.memory_space<vmem>>) offsets(%dma_start3A_328 : memref<320xi32, #tpu.memory_space<vmem>>) semaphore(%arg12 : memref<!tpu.dma_semaphore, #tpu.memory_space<semaphore_mem>>)
    %dma_wait3A_332 = arith.constant 5120 : i32
    %dma_wait3A_333 = tpu.memref_slice %arg5[%dma_wait3A_332] : memref<10240xi32, #tpu.memory_space<vmem>> -> memref<320xi32, #tpu.memory_space<vmem>>
    %dma_wait3A_334 = arith.constant 0 : i32
    %dma_wait3A_335 = arith.constant 0 : i32
    %dma_wait3A_336 = tpu.memref_slice %arg3[%dma_wait3A_334, %dma_wait3A_335] : memref<1000001x64xf32, #tpu.memory_space<hbm>> -> memref<1000001x64xf32, #tpu.memory_space<hbm>>
    tpu.wait_indirect_dma semaphore(%arg10 : memref<!tpu.dma_semaphore, #tpu.memory_space<semaphore_mem>>) src(%dma_wait3A_336 : memref<1000001x64xf32, #tpu.memory_space<hbm>>) dst(%arg6 : memref<320x64xf32, #tpu.memory_space<vmem>>)
    %add3A_337 = arith.constant 5120 : i32
    %add3A_338 = arith.addi %mul3A_2, %add3A_337 : i32
    %dma_start3A_339 = arith.constant 0 : i32
    %dma_start3A_340 = tpu.memref_slice %arg4[%add3A_338, %dma_start3A_339] : memref<327680x64xf32, #tpu.memory_space<hbm>> -> memref<320x64xf32, #tpu.memory_space<hbm>>
    %dma_start3A_341 = arith.constant 0 : i32
    %dma_start3A_342 = tpu.memref_slice %arg4[%add3A_338, %dma_start3A_341] : memref<327680x64xf32, #tpu.memory_space<hbm>> -> memref<320x64xf32, #tpu.memory_space<hbm>>
    tpu.enqueue_dma source(%arg6 : memref<320x64xf32, #tpu.memory_space<vmem>>) target(%dma_start3A_342 : memref<320x64xf32, #tpu.memory_space<hbm>>) target_semaphore(%arg14 : memref<!tpu.dma_semaphore, #tpu.memory_space<semaphore_mem>>)
    %dma_wait3A_343 = arith.constant 0 : i32
    %dma_wait3A_344 = tpu.memref_slice %arg4[%add3A_318, %dma_wait3A_343] : memref<327680x64xf32, #tpu.memory_space<hbm>> -> memref<320x64xf32, #tpu.memory_space<hbm>>
    %dma_wait3A_345 = arith.constant 0 : i32
    %dma_wait3A_346 = tpu.memref_slice %arg4[%add3A_318, %dma_wait3A_345] : memref<327680x64xf32, #tpu.memory_space<hbm>> -> memref<320x64xf32, #tpu.memory_space<hbm>>
    tpu.wait_dma2 semaphore(%arg17 : memref<!tpu.dma_semaphore, #tpu.memory_space<semaphore_mem>>) src(%arg9 : memref<320x64xf32, #tpu.memory_space<vmem>>) dst(%dma_wait3A_346 : memref<320x64xf32, #tpu.memory_space<hbm>>)
    %dma_start3A_347 = arith.constant 6080 : i32
    %dma_start3A_348 = tpu.memref_slice %arg5[%dma_start3A_347] : memref<10240xi32, #tpu.memory_space<vmem>> -> memref<320xi32, #tpu.memory_space<vmem>>
    %dma_start3A_349 = arith.constant 0 : i32
    %dma_start3A_350 = arith.constant 0 : i32
    %dma_start3A_351 = tpu.memref_slice %arg3[%dma_start3A_349, %dma_start3A_350] : memref<1000001x64xf32, #tpu.memory_space<hbm>> -> memref<1000001x64xf32, #tpu.memory_space<hbm>>
    tpu.enqueue_indirect_dma source(%dma_start3A_351 : memref<1000001x64xf32, #tpu.memory_space<hbm>>) target(%arg9 : memref<320x64xf32, #tpu.memory_space<vmem>>) offsets(%dma_start3A_348 : memref<320xi32, #tpu.memory_space<vmem>>) semaphore(%arg13 : memref<!tpu.dma_semaphore, #tpu.memory_space<semaphore_mem>>)
    %dma_wait3A_352 = arith.constant 5440 : i32
    %dma_wait3A_353 = tpu.memref_slice %arg5[%dma_wait3A_352] : memref<10240xi32, #tpu.memory_space<vmem>> -> memref<320xi32, #tpu.memory_space<vmem>>
    %dma_wait3A_354 = arith.constant 0 : i32
    %dma_wait3A_355 = arith.constant 0 : i32
    %dma_wait3A_356 = tpu.memref_slice %arg3[%dma_wait3A_354, %dma_wait3A_355] : memref<1000001x64xf32, #tpu.memory_space<hbm>> -> memref<1000001x64xf32, #tpu.memory_space<hbm>>
    tpu.wait_indirect_dma semaphore(%arg11 : memref<!tpu.dma_semaphore, #tpu.memory_space<semaphore_mem>>) src(%dma_wait3A_356 : memref<1000001x64xf32, #tpu.memory_space<hbm>>) dst(%arg7 : memref<320x64xf32, #tpu.memory_space<vmem>>)
    %add3A_357 = arith.constant 5440 : i32
    %add3A_358 = arith.addi %mul3A_2, %add3A_357 : i32
    %dma_start3A_359 = arith.constant 0 : i32
    %dma_start3A_360 = tpu.memref_slice %arg4[%add3A_358, %dma_start3A_359] : memref<327680x64xf32, #tpu.memory_space<hbm>> -> memref<320x64xf32, #tpu.memory_space<hbm>>
    %dma_start3A_361 = arith.constant 0 : i32
    %dma_start3A_362 = tpu.memref_slice %arg4[%add3A_358, %dma_start3A_361] : memref<327680x64xf32, #tpu.memory_space<hbm>> -> memref<320x64xf32, #tpu.memory_space<hbm>>
    tpu.enqueue_dma source(%arg7 : memref<320x64xf32, #tpu.memory_space<vmem>>) target(%dma_start3A_362 : memref<320x64xf32, #tpu.memory_space<hbm>>) target_semaphore(%arg15 : memref<!tpu.dma_semaphore, #tpu.memory_space<semaphore_mem>>)
    %dma_wait3A_363 = arith.constant 0 : i32
    %dma_wait3A_364 = tpu.memref_slice %arg4[%add3A_338, %dma_wait3A_363] : memref<327680x64xf32, #tpu.memory_space<hbm>> -> memref<320x64xf32, #tpu.memory_space<hbm>>
    %dma_wait3A_365 = arith.constant 0 : i32
    %dma_wait3A_366 = tpu.memref_slice %arg4[%add3A_338, %dma_wait3A_365] : memref<327680x64xf32, #tpu.memory_space<hbm>> -> memref<320x64xf32, #tpu.memory_space<hbm>>
    tpu.wait_dma2 semaphore(%arg14 : memref<!tpu.dma_semaphore, #tpu.memory_space<semaphore_mem>>) src(%arg6 : memref<320x64xf32, #tpu.memory_space<vmem>>) dst(%dma_wait3A_366 : memref<320x64xf32, #tpu.memory_space<hbm>>)
    %dma_start3A_367 = arith.constant 6400 : i32
    %dma_start3A_368 = tpu.memref_slice %arg5[%dma_start3A_367] : memref<10240xi32, #tpu.memory_space<vmem>> -> memref<320xi32, #tpu.memory_space<vmem>>
    %dma_start3A_369 = arith.constant 0 : i32
    %dma_start3A_370 = arith.constant 0 : i32
    %dma_start3A_371 = tpu.memref_slice %arg3[%dma_start3A_369, %dma_start3A_370] : memref<1000001x64xf32, #tpu.memory_space<hbm>> -> memref<1000001x64xf32, #tpu.memory_space<hbm>>
    tpu.enqueue_indirect_dma source(%dma_start3A_371 : memref<1000001x64xf32, #tpu.memory_space<hbm>>) target(%arg6 : memref<320x64xf32, #tpu.memory_space<vmem>>) offsets(%dma_start3A_368 : memref<320xi32, #tpu.memory_space<vmem>>) semaphore(%arg10 : memref<!tpu.dma_semaphore, #tpu.memory_space<semaphore_mem>>)
    %dma_wait3A_372 = arith.constant 5760 : i32
    %dma_wait3A_373 = tpu.memref_slice %arg5[%dma_wait3A_372] : memref<10240xi32, #tpu.memory_space<vmem>> -> memref<320xi32, #tpu.memory_space<vmem>>
    %dma_wait3A_374 = arith.constant 0 : i32
    %dma_wait3A_375 = arith.constant 0 : i32
    %dma_wait3A_376 = tpu.memref_slice %arg3[%dma_wait3A_374, %dma_wait3A_375] : memref<1000001x64xf32, #tpu.memory_space<hbm>> -> memref<1000001x64xf32, #tpu.memory_space<hbm>>
    tpu.wait_indirect_dma semaphore(%arg12 : memref<!tpu.dma_semaphore, #tpu.memory_space<semaphore_mem>>) src(%dma_wait3A_376 : memref<1000001x64xf32, #tpu.memory_space<hbm>>) dst(%arg8 : memref<320x64xf32, #tpu.memory_space<vmem>>)
    %add3A_377 = arith.constant 5760 : i32
    %add3A_378 = arith.addi %mul3A_2, %add3A_377 : i32
    %dma_start3A_379 = arith.constant 0 : i32
    %dma_start3A_380 = tpu.memref_slice %arg4[%add3A_378, %dma_start3A_379] : memref<327680x64xf32, #tpu.memory_space<hbm>> -> memref<320x64xf32, #tpu.memory_space<hbm>>
    %dma_start3A_381 = arith.constant 0 : i32
    %dma_start3A_382 = tpu.memref_slice %arg4[%add3A_378, %dma_start3A_381] : memref<327680x64xf32, #tpu.memory_space<hbm>> -> memref<320x64xf32, #tpu.memory_space<hbm>>
    tpu.enqueue_dma source(%arg8 : memref<320x64xf32, #tpu.memory_space<vmem>>) target(%dma_start3A_382 : memref<320x64xf32, #tpu.memory_space<hbm>>) target_semaphore(%arg16 : memref<!tpu.dma_semaphore, #tpu.memory_space<semaphore_mem>>)
    %dma_wait3A_383 = arith.constant 0 : i32
    %dma_wait3A_384 = tpu.memref_slice %arg4[%add3A_358, %dma_wait3A_383] : memref<327680x64xf32, #tpu.memory_space<hbm>> -> memref<320x64xf32, #tpu.memory_space<hbm>>
    %dma_wait3A_385 = arith.constant 0 : i32
    %dma_wait3A_386 = tpu.memref_slice %arg4[%add3A_358, %dma_wait3A_385] : memref<327680x64xf32, #tpu.memory_space<hbm>> -> memref<320x64xf32, #tpu.memory_space<hbm>>
    tpu.wait_dma2 semaphore(%arg15 : memref<!tpu.dma_semaphore, #tpu.memory_space<semaphore_mem>>) src(%arg7 : memref<320x64xf32, #tpu.memory_space<vmem>>) dst(%dma_wait3A_386 : memref<320x64xf32, #tpu.memory_space<hbm>>)
    %dma_start3A_387 = arith.constant 6720 : i32
    %dma_start3A_388 = tpu.memref_slice %arg5[%dma_start3A_387] : memref<10240xi32, #tpu.memory_space<vmem>> -> memref<320xi32, #tpu.memory_space<vmem>>
    %dma_start3A_389 = arith.constant 0 : i32
    %dma_start3A_390 = arith.constant 0 : i32
    %dma_start3A_391 = tpu.memref_slice %arg3[%dma_start3A_389, %dma_start3A_390] : memref<1000001x64xf32, #tpu.memory_space<hbm>> -> memref<1000001x64xf32, #tpu.memory_space<hbm>>
    tpu.enqueue_indirect_dma source(%dma_start3A_391 : memref<1000001x64xf32, #tpu.memory_space<hbm>>) target(%arg7 : memref<320x64xf32, #tpu.memory_space<vmem>>) offsets(%dma_start3A_388 : memref<320xi32, #tpu.memory_space<vmem>>) semaphore(%arg11 : memref<!tpu.dma_semaphore, #tpu.memory_space<semaphore_mem>>)
    %dma_wait3A_392 = arith.constant 6080 : i32
    %dma_wait3A_393 = tpu.memref_slice %arg5[%dma_wait3A_392] : memref<10240xi32, #tpu.memory_space<vmem>> -> memref<320xi32, #tpu.memory_space<vmem>>
    %dma_wait3A_394 = arith.constant 0 : i32
    %dma_wait3A_395 = arith.constant 0 : i32
    %dma_wait3A_396 = tpu.memref_slice %arg3[%dma_wait3A_394, %dma_wait3A_395] : memref<1000001x64xf32, #tpu.memory_space<hbm>> -> memref<1000001x64xf32, #tpu.memory_space<hbm>>
    tpu.wait_indirect_dma semaphore(%arg13 : memref<!tpu.dma_semaphore, #tpu.memory_space<semaphore_mem>>) src(%dma_wait3A_396 : memref<1000001x64xf32, #tpu.memory_space<hbm>>) dst(%arg9 : memref<320x64xf32, #tpu.memory_space<vmem>>)
    %add3A_397 = arith.constant 6080 : i32
    %add3A_398 = arith.addi %mul3A_2, %add3A_397 : i32
    %dma_start3A_399 = arith.constant 0 : i32
    %dma_start3A_400 = tpu.memref_slice %arg4[%add3A_398, %dma_start3A_399] : memref<327680x64xf32, #tpu.memory_space<hbm>> -> memref<320x64xf32, #tpu.memory_space<hbm>>
    %dma_start3A_401 = arith.constant 0 : i32
    %dma_start3A_402 = tpu.memref_slice %arg4[%add3A_398, %dma_start3A_401] : memref<327680x64xf32, #tpu.memory_space<hbm>> -> memref<320x64xf32, #tpu.memory_space<hbm>>
    tpu.enqueue_dma source(%arg9 : memref<320x64xf32, #tpu.memory_space<vmem>>) target(%dma_start3A_402 : memref<320x64xf32, #tpu.memory_space<hbm>>) target_semaphore(%arg17 : memref<!tpu.dma_semaphore, #tpu.memory_space<semaphore_mem>>)
    %dma_wait3A_403 = arith.constant 0 : i32
    %dma_wait3A_404 = tpu.memref_slice %arg4[%add3A_378, %dma_wait3A_403] : memref<327680x64xf32, #tpu.memory_space<hbm>> -> memref<320x64xf32, #tpu.memory_space<hbm>>
    %dma_wait3A_405 = arith.constant 0 : i32
    %dma_wait3A_406 = tpu.memref_slice %arg4[%add3A_378, %dma_wait3A_405] : memref<327680x64xf32, #tpu.memory_space<hbm>> -> memref<320x64xf32, #tpu.memory_space<hbm>>
    tpu.wait_dma2 semaphore(%arg16 : memref<!tpu.dma_semaphore, #tpu.memory_space<semaphore_mem>>) src(%arg8 : memref<320x64xf32, #tpu.memory_space<vmem>>) dst(%dma_wait3A_406 : memref<320x64xf32, #tpu.memory_space<hbm>>)
    %dma_start3A_407 = arith.constant 7040 : i32
    %dma_start3A_408 = tpu.memref_slice %arg5[%dma_start3A_407] : memref<10240xi32, #tpu.memory_space<vmem>> -> memref<320xi32, #tpu.memory_space<vmem>>
    %dma_start3A_409 = arith.constant 0 : i32
    %dma_start3A_410 = arith.constant 0 : i32
    %dma_start3A_411 = tpu.memref_slice %arg3[%dma_start3A_409, %dma_start3A_410] : memref<1000001x64xf32, #tpu.memory_space<hbm>> -> memref<1000001x64xf32, #tpu.memory_space<hbm>>
    tpu.enqueue_indirect_dma source(%dma_start3A_411 : memref<1000001x64xf32, #tpu.memory_space<hbm>>) target(%arg8 : memref<320x64xf32, #tpu.memory_space<vmem>>) offsets(%dma_start3A_408 : memref<320xi32, #tpu.memory_space<vmem>>) semaphore(%arg12 : memref<!tpu.dma_semaphore, #tpu.memory_space<semaphore_mem>>)
    %dma_wait3A_412 = arith.constant 6400 : i32
    %dma_wait3A_413 = tpu.memref_slice %arg5[%dma_wait3A_412] : memref<10240xi32, #tpu.memory_space<vmem>> -> memref<320xi32, #tpu.memory_space<vmem>>
    %dma_wait3A_414 = arith.constant 0 : i32
    %dma_wait3A_415 = arith.constant 0 : i32
    %dma_wait3A_416 = tpu.memref_slice %arg3[%dma_wait3A_414, %dma_wait3A_415] : memref<1000001x64xf32, #tpu.memory_space<hbm>> -> memref<1000001x64xf32, #tpu.memory_space<hbm>>
    tpu.wait_indirect_dma semaphore(%arg10 : memref<!tpu.dma_semaphore, #tpu.memory_space<semaphore_mem>>) src(%dma_wait3A_416 : memref<1000001x64xf32, #tpu.memory_space<hbm>>) dst(%arg6 : memref<320x64xf32, #tpu.memory_space<vmem>>)
    %add3A_417 = arith.constant 6400 : i32
    %add3A_418 = arith.addi %mul3A_2, %add3A_417 : i32
    %dma_start3A_419 = arith.constant 0 : i32
    %dma_start3A_420 = tpu.memref_slice %arg4[%add3A_418, %dma_start3A_419] : memref<327680x64xf32, #tpu.memory_space<hbm>> -> memref<320x64xf32, #tpu.memory_space<hbm>>
    %dma_start3A_421 = arith.constant 0 : i32
    %dma_start3A_422 = tpu.memref_slice %arg4[%add3A_418, %dma_start3A_421] : memref<327680x64xf32, #tpu.memory_space<hbm>> -> memref<320x64xf32, #tpu.memory_space<hbm>>
    tpu.enqueue_dma source(%arg6 : memref<320x64xf32, #tpu.memory_space<vmem>>) target(%dma_start3A_422 : memref<320x64xf32, #tpu.memory_space<hbm>>) target_semaphore(%arg14 : memref<!tpu.dma_semaphore, #tpu.memory_space<semaphore_mem>>)
    %dma_wait3A_423 = arith.constant 0 : i32
    %dma_wait3A_424 = tpu.memref_slice %arg4[%add3A_398, %dma_wait3A_423] : memref<327680x64xf32, #tpu.memory_space<hbm>> -> memref<320x64xf32, #tpu.memory_space<hbm>>
    %dma_wait3A_425 = arith.constant 0 : i32
    %dma_wait3A_426 = tpu.memref_slice %arg4[%add3A_398, %dma_wait3A_425] : memref<327680x64xf32, #tpu.memory_space<hbm>> -> memref<320x64xf32, #tpu.memory_space<hbm>>
    tpu.wait_dma2 semaphore(%arg17 : memref<!tpu.dma_semaphore, #tpu.memory_space<semaphore_mem>>) src(%arg9 : memref<320x64xf32, #tpu.memory_space<vmem>>) dst(%dma_wait3A_426 : memref<320x64xf32, #tpu.memory_space<hbm>>)
    %dma_start3A_427 = arith.constant 7360 : i32
    %dma_start3A_428 = tpu.memref_slice %arg5[%dma_start3A_427] : memref<10240xi32, #tpu.memory_space<vmem>> -> memref<320xi32, #tpu.memory_space<vmem>>
    %dma_start3A_429 = arith.constant 0 : i32
    %dma_start3A_430 = arith.constant 0 : i32
    %dma_start3A_431 = tpu.memref_slice %arg3[%dma_start3A_429, %dma_start3A_430] : memref<1000001x64xf32, #tpu.memory_space<hbm>> -> memref<1000001x64xf32, #tpu.memory_space<hbm>>
    tpu.enqueue_indirect_dma source(%dma_start3A_431 : memref<1000001x64xf32, #tpu.memory_space<hbm>>) target(%arg9 : memref<320x64xf32, #tpu.memory_space<vmem>>) offsets(%dma_start3A_428 : memref<320xi32, #tpu.memory_space<vmem>>) semaphore(%arg13 : memref<!tpu.dma_semaphore, #tpu.memory_space<semaphore_mem>>)
    %dma_wait3A_432 = arith.constant 6720 : i32
    %dma_wait3A_433 = tpu.memref_slice %arg5[%dma_wait3A_432] : memref<10240xi32, #tpu.memory_space<vmem>> -> memref<320xi32, #tpu.memory_space<vmem>>
    %dma_wait3A_434 = arith.constant 0 : i32
    %dma_wait3A_435 = arith.constant 0 : i32
    %dma_wait3A_436 = tpu.memref_slice %arg3[%dma_wait3A_434, %dma_wait3A_435] : memref<1000001x64xf32, #tpu.memory_space<hbm>> -> memref<1000001x64xf32, #tpu.memory_space<hbm>>
    tpu.wait_indirect_dma semaphore(%arg11 : memref<!tpu.dma_semaphore, #tpu.memory_space<semaphore_mem>>) src(%dma_wait3A_436 : memref<1000001x64xf32, #tpu.memory_space<hbm>>) dst(%arg7 : memref<320x64xf32, #tpu.memory_space<vmem>>)
    %add3A_437 = arith.constant 6720 : i32
    %add3A_438 = arith.addi %mul3A_2, %add3A_437 : i32
    %dma_start3A_439 = arith.constant 0 : i32
    %dma_start3A_440 = tpu.memref_slice %arg4[%add3A_438, %dma_start3A_439] : memref<327680x64xf32, #tpu.memory_space<hbm>> -> memref<320x64xf32, #tpu.memory_space<hbm>>
    %dma_start3A_441 = arith.constant 0 : i32
    %dma_start3A_442 = tpu.memref_slice %arg4[%add3A_438, %dma_start3A_441] : memref<327680x64xf32, #tpu.memory_space<hbm>> -> memref<320x64xf32, #tpu.memory_space<hbm>>
    tpu.enqueue_dma source(%arg7 : memref<320x64xf32, #tpu.memory_space<vmem>>) target(%dma_start3A_442 : memref<320x64xf32, #tpu.memory_space<hbm>>) target_semaphore(%arg15 : memref<!tpu.dma_semaphore, #tpu.memory_space<semaphore_mem>>)
    %dma_wait3A_443 = arith.constant 0 : i32
    %dma_wait3A_444 = tpu.memref_slice %arg4[%add3A_418, %dma_wait3A_443] : memref<327680x64xf32, #tpu.memory_space<hbm>> -> memref<320x64xf32, #tpu.memory_space<hbm>>
    %dma_wait3A_445 = arith.constant 0 : i32
    %dma_wait3A_446 = tpu.memref_slice %arg4[%add3A_418, %dma_wait3A_445] : memref<327680x64xf32, #tpu.memory_space<hbm>> -> memref<320x64xf32, #tpu.memory_space<hbm>>
    tpu.wait_dma2 semaphore(%arg14 : memref<!tpu.dma_semaphore, #tpu.memory_space<semaphore_mem>>) src(%arg6 : memref<320x64xf32, #tpu.memory_space<vmem>>) dst(%dma_wait3A_446 : memref<320x64xf32, #tpu.memory_space<hbm>>)
    %dma_start3A_447 = arith.constant 7680 : i32
    %dma_start3A_448 = tpu.memref_slice %arg5[%dma_start3A_447] : memref<10240xi32, #tpu.memory_space<vmem>> -> memref<320xi32, #tpu.memory_space<vmem>>
    %dma_start3A_449 = arith.constant 0 : i32
    %dma_start3A_450 = arith.constant 0 : i32
    %dma_start3A_451 = tpu.memref_slice %arg3[%dma_start3A_449, %dma_start3A_450] : memref<1000001x64xf32, #tpu.memory_space<hbm>> -> memref<1000001x64xf32, #tpu.memory_space<hbm>>
    tpu.enqueue_indirect_dma source(%dma_start3A_451 : memref<1000001x64xf32, #tpu.memory_space<hbm>>) target(%arg6 : memref<320x64xf32, #tpu.memory_space<vmem>>) offsets(%dma_start3A_448 : memref<320xi32, #tpu.memory_space<vmem>>) semaphore(%arg10 : memref<!tpu.dma_semaphore, #tpu.memory_space<semaphore_mem>>)
    %dma_wait3A_452 = arith.constant 7040 : i32
    %dma_wait3A_453 = tpu.memref_slice %arg5[%dma_wait3A_452] : memref<10240xi32, #tpu.memory_space<vmem>> -> memref<320xi32, #tpu.memory_space<vmem>>
    %dma_wait3A_454 = arith.constant 0 : i32
    %dma_wait3A_455 = arith.constant 0 : i32
    %dma_wait3A_456 = tpu.memref_slice %arg3[%dma_wait3A_454, %dma_wait3A_455] : memref<1000001x64xf32, #tpu.memory_space<hbm>> -> memref<1000001x64xf32, #tpu.memory_space<hbm>>
    tpu.wait_indirect_dma semaphore(%arg12 : memref<!tpu.dma_semaphore, #tpu.memory_space<semaphore_mem>>) src(%dma_wait3A_456 : memref<1000001x64xf32, #tpu.memory_space<hbm>>) dst(%arg8 : memref<320x64xf32, #tpu.memory_space<vmem>>)
    %add3A_457 = arith.constant 7040 : i32
    %add3A_458 = arith.addi %mul3A_2, %add3A_457 : i32
    %dma_start3A_459 = arith.constant 0 : i32
    %dma_start3A_460 = tpu.memref_slice %arg4[%add3A_458, %dma_start3A_459] : memref<327680x64xf32, #tpu.memory_space<hbm>> -> memref<320x64xf32, #tpu.memory_space<hbm>>
    %dma_start3A_461 = arith.constant 0 : i32
    %dma_start3A_462 = tpu.memref_slice %arg4[%add3A_458, %dma_start3A_461] : memref<327680x64xf32, #tpu.memory_space<hbm>> -> memref<320x64xf32, #tpu.memory_space<hbm>>
    tpu.enqueue_dma source(%arg8 : memref<320x64xf32, #tpu.memory_space<vmem>>) target(%dma_start3A_462 : memref<320x64xf32, #tpu.memory_space<hbm>>) target_semaphore(%arg16 : memref<!tpu.dma_semaphore, #tpu.memory_space<semaphore_mem>>)
    %dma_wait3A_463 = arith.constant 0 : i32
    %dma_wait3A_464 = tpu.memref_slice %arg4[%add3A_438, %dma_wait3A_463] : memref<327680x64xf32, #tpu.memory_space<hbm>> -> memref<320x64xf32, #tpu.memory_space<hbm>>
    %dma_wait3A_465 = arith.constant 0 : i32
    %dma_wait3A_466 = tpu.memref_slice %arg4[%add3A_438, %dma_wait3A_465] : memref<327680x64xf32, #tpu.memory_space<hbm>> -> memref<320x64xf32, #tpu.memory_space<hbm>>
    tpu.wait_dma2 semaphore(%arg15 : memref<!tpu.dma_semaphore, #tpu.memory_space<semaphore_mem>>) src(%arg7 : memref<320x64xf32, #tpu.memory_space<vmem>>) dst(%dma_wait3A_466 : memref<320x64xf32, #tpu.memory_space<hbm>>)
    %dma_start3A_467 = arith.constant 8000 : i32
    %dma_start3A_468 = tpu.memref_slice %arg5[%dma_start3A_467] : memref<10240xi32, #tpu.memory_space<vmem>> -> memref<320xi32, #tpu.memory_space<vmem>>
    %dma_start3A_469 = arith.constant 0 : i32
    %dma_start3A_470 = arith.constant 0 : i32
    %dma_start3A_471 = tpu.memref_slice %arg3[%dma_start3A_469, %dma_start3A_470] : memref<1000001x64xf32, #tpu.memory_space<hbm>> -> memref<1000001x64xf32, #tpu.memory_space<hbm>>
    tpu.enqueue_indirect_dma source(%dma_start3A_471 : memref<1000001x64xf32, #tpu.memory_space<hbm>>) target(%arg7 : memref<320x64xf32, #tpu.memory_space<vmem>>) offsets(%dma_start3A_468 : memref<320xi32, #tpu.memory_space<vmem>>) semaphore(%arg11 : memref<!tpu.dma_semaphore, #tpu.memory_space<semaphore_mem>>)
    %dma_wait3A_472 = arith.constant 7360 : i32
    %dma_wait3A_473 = tpu.memref_slice %arg5[%dma_wait3A_472] : memref<10240xi32, #tpu.memory_space<vmem>> -> memref<320xi32, #tpu.memory_space<vmem>>
    %dma_wait3A_474 = arith.constant 0 : i32
    %dma_wait3A_475 = arith.constant 0 : i32
    %dma_wait3A_476 = tpu.memref_slice %arg3[%dma_wait3A_474, %dma_wait3A_475] : memref<1000001x64xf32, #tpu.memory_space<hbm>> -> memref<1000001x64xf32, #tpu.memory_space<hbm>>
    tpu.wait_indirect_dma semaphore(%arg13 : memref<!tpu.dma_semaphore, #tpu.memory_space<semaphore_mem>>) src(%dma_wait3A_476 : memref<1000001x64xf32, #tpu.memory_space<hbm>>) dst(%arg9 : memref<320x64xf32, #tpu.memory_space<vmem>>)
    %add3A_477 = arith.constant 7360 : i32
    %add3A_478 = arith.addi %mul3A_2, %add3A_477 : i32
    %dma_start3A_479 = arith.constant 0 : i32
    %dma_start3A_480 = tpu.memref_slice %arg4[%add3A_478, %dma_start3A_479] : memref<327680x64xf32, #tpu.memory_space<hbm>> -> memref<320x64xf32, #tpu.memory_space<hbm>>
    %dma_start3A_481 = arith.constant 0 : i32
    %dma_start3A_482 = tpu.memref_slice %arg4[%add3A_478, %dma_start3A_481] : memref<327680x64xf32, #tpu.memory_space<hbm>> -> memref<320x64xf32, #tpu.memory_space<hbm>>
    tpu.enqueue_dma source(%arg9 : memref<320x64xf32, #tpu.memory_space<vmem>>) target(%dma_start3A_482 : memref<320x64xf32, #tpu.memory_space<hbm>>) target_semaphore(%arg17 : memref<!tpu.dma_semaphore, #tpu.memory_space<semaphore_mem>>)
    %dma_wait3A_483 = arith.constant 0 : i32
    %dma_wait3A_484 = tpu.memref_slice %arg4[%add3A_458, %dma_wait3A_483] : memref<327680x64xf32, #tpu.memory_space<hbm>> -> memref<320x64xf32, #tpu.memory_space<hbm>>
    %dma_wait3A_485 = arith.constant 0 : i32
    %dma_wait3A_486 = tpu.memref_slice %arg4[%add3A_458, %dma_wait3A_485] : memref<327680x64xf32, #tpu.memory_space<hbm>> -> memref<320x64xf32, #tpu.memory_space<hbm>>
    tpu.wait_dma2 semaphore(%arg16 : memref<!tpu.dma_semaphore, #tpu.memory_space<semaphore_mem>>) src(%arg8 : memref<320x64xf32, #tpu.memory_space<vmem>>) dst(%dma_wait3A_486 : memref<320x64xf32, #tpu.memory_space<hbm>>)
    %dma_start3A_487 = arith.constant 8320 : i32
    %dma_start3A_488 = tpu.memref_slice %arg5[%dma_start3A_487] : memref<10240xi32, #tpu.memory_space<vmem>> -> memref<320xi32, #tpu.memory_space<vmem>>
    %dma_start3A_489 = arith.constant 0 : i32
    %dma_start3A_490 = arith.constant 0 : i32
    %dma_start3A_491 = tpu.memref_slice %arg3[%dma_start3A_489, %dma_start3A_490] : memref<1000001x64xf32, #tpu.memory_space<hbm>> -> memref<1000001x64xf32, #tpu.memory_space<hbm>>
    tpu.enqueue_indirect_dma source(%dma_start3A_491 : memref<1000001x64xf32, #tpu.memory_space<hbm>>) target(%arg8 : memref<320x64xf32, #tpu.memory_space<vmem>>) offsets(%dma_start3A_488 : memref<320xi32, #tpu.memory_space<vmem>>) semaphore(%arg12 : memref<!tpu.dma_semaphore, #tpu.memory_space<semaphore_mem>>)
    %dma_wait3A_492 = arith.constant 7680 : i32
    %dma_wait3A_493 = tpu.memref_slice %arg5[%dma_wait3A_492] : memref<10240xi32, #tpu.memory_space<vmem>> -> memref<320xi32, #tpu.memory_space<vmem>>
    %dma_wait3A_494 = arith.constant 0 : i32
    %dma_wait3A_495 = arith.constant 0 : i32
    %dma_wait3A_496 = tpu.memref_slice %arg3[%dma_wait3A_494, %dma_wait3A_495] : memref<1000001x64xf32, #tpu.memory_space<hbm>> -> memref<1000001x64xf32, #tpu.memory_space<hbm>>
    tpu.wait_indirect_dma semaphore(%arg10 : memref<!tpu.dma_semaphore, #tpu.memory_space<semaphore_mem>>) src(%dma_wait3A_496 : memref<1000001x64xf32, #tpu.memory_space<hbm>>) dst(%arg6 : memref<320x64xf32, #tpu.memory_space<vmem>>)
    %add3A_497 = arith.constant 7680 : i32
    %add3A_498 = arith.addi %mul3A_2, %add3A_497 : i32
    %dma_start3A_499 = arith.constant 0 : i32
    %dma_start3A_500 = tpu.memref_slice %arg4[%add3A_498, %dma_start3A_499] : memref<327680x64xf32, #tpu.memory_space<hbm>> -> memref<320x64xf32, #tpu.memory_space<hbm>>
    %dma_start3A_501 = arith.constant 0 : i32
    %dma_start3A_502 = tpu.memref_slice %arg4[%add3A_498, %dma_start3A_501] : memref<327680x64xf32, #tpu.memory_space<hbm>> -> memref<320x64xf32, #tpu.memory_space<hbm>>
    tpu.enqueue_dma source(%arg6 : memref<320x64xf32, #tpu.memory_space<vmem>>) target(%dma_start3A_502 : memref<320x64xf32, #tpu.memory_space<hbm>>) target_semaphore(%arg14 : memref<!tpu.dma_semaphore, #tpu.memory_space<semaphore_mem>>)
    %dma_wait3A_503 = arith.constant 0 : i32
    %dma_wait3A_504 = tpu.memref_slice %arg4[%add3A_478, %dma_wait3A_503] : memref<327680x64xf32, #tpu.memory_space<hbm>> -> memref<320x64xf32, #tpu.memory_space<hbm>>
    %dma_wait3A_505 = arith.constant 0 : i32
    %dma_wait3A_506 = tpu.memref_slice %arg4[%add3A_478, %dma_wait3A_505] : memref<327680x64xf32, #tpu.memory_space<hbm>> -> memref<320x64xf32, #tpu.memory_space<hbm>>
    tpu.wait_dma2 semaphore(%arg17 : memref<!tpu.dma_semaphore, #tpu.memory_space<semaphore_mem>>) src(%arg9 : memref<320x64xf32, #tpu.memory_space<vmem>>) dst(%dma_wait3A_506 : memref<320x64xf32, #tpu.memory_space<hbm>>)
    %dma_start3A_507 = arith.constant 8640 : i32
    %dma_start3A_508 = tpu.memref_slice %arg5[%dma_start3A_507] : memref<10240xi32, #tpu.memory_space<vmem>> -> memref<320xi32, #tpu.memory_space<vmem>>
    %dma_start3A_509 = arith.constant 0 : i32
    %dma_start3A_510 = arith.constant 0 : i32
    %dma_start3A_511 = tpu.memref_slice %arg3[%dma_start3A_509, %dma_start3A_510] : memref<1000001x64xf32, #tpu.memory_space<hbm>> -> memref<1000001x64xf32, #tpu.memory_space<hbm>>
    tpu.enqueue_indirect_dma source(%dma_start3A_511 : memref<1000001x64xf32, #tpu.memory_space<hbm>>) target(%arg9 : memref<320x64xf32, #tpu.memory_space<vmem>>) offsets(%dma_start3A_508 : memref<320xi32, #tpu.memory_space<vmem>>) semaphore(%arg13 : memref<!tpu.dma_semaphore, #tpu.memory_space<semaphore_mem>>)
    %dma_wait3A_512 = arith.constant 8000 : i32
    %dma_wait3A_513 = tpu.memref_slice %arg5[%dma_wait3A_512] : memref<10240xi32, #tpu.memory_space<vmem>> -> memref<320xi32, #tpu.memory_space<vmem>>
    %dma_wait3A_514 = arith.constant 0 : i32
    %dma_wait3A_515 = arith.constant 0 : i32
    %dma_wait3A_516 = tpu.memref_slice %arg3[%dma_wait3A_514, %dma_wait3A_515] : memref<1000001x64xf32, #tpu.memory_space<hbm>> -> memref<1000001x64xf32, #tpu.memory_space<hbm>>
    tpu.wait_indirect_dma semaphore(%arg11 : memref<!tpu.dma_semaphore, #tpu.memory_space<semaphore_mem>>) src(%dma_wait3A_516 : memref<1000001x64xf32, #tpu.memory_space<hbm>>) dst(%arg7 : memref<320x64xf32, #tpu.memory_space<vmem>>)
    %add3A_517 = arith.constant 8000 : i32
    %add3A_518 = arith.addi %mul3A_2, %add3A_517 : i32
    %dma_start3A_519 = arith.constant 0 : i32
    %dma_start3A_520 = tpu.memref_slice %arg4[%add3A_518, %dma_start3A_519] : memref<327680x64xf32, #tpu.memory_space<hbm>> -> memref<320x64xf32, #tpu.memory_space<hbm>>
    %dma_start3A_521 = arith.constant 0 : i32
    %dma_start3A_522 = tpu.memref_slice %arg4[%add3A_518, %dma_start3A_521] : memref<327680x64xf32, #tpu.memory_space<hbm>> -> memref<320x64xf32, #tpu.memory_space<hbm>>
    tpu.enqueue_dma source(%arg7 : memref<320x64xf32, #tpu.memory_space<vmem>>) target(%dma_start3A_522 : memref<320x64xf32, #tpu.memory_space<hbm>>) target_semaphore(%arg15 : memref<!tpu.dma_semaphore, #tpu.memory_space<semaphore_mem>>)
    %dma_wait3A_523 = arith.constant 0 : i32
    %dma_wait3A_524 = tpu.memref_slice %arg4[%add3A_498, %dma_wait3A_523] : memref<327680x64xf32, #tpu.memory_space<hbm>> -> memref<320x64xf32, #tpu.memory_space<hbm>>
    %dma_wait3A_525 = arith.constant 0 : i32
    %dma_wait3A_526 = tpu.memref_slice %arg4[%add3A_498, %dma_wait3A_525] : memref<327680x64xf32, #tpu.memory_space<hbm>> -> memref<320x64xf32, #tpu.memory_space<hbm>>
    tpu.wait_dma2 semaphore(%arg14 : memref<!tpu.dma_semaphore, #tpu.memory_space<semaphore_mem>>) src(%arg6 : memref<320x64xf32, #tpu.memory_space<vmem>>) dst(%dma_wait3A_526 : memref<320x64xf32, #tpu.memory_space<hbm>>)
    %dma_start3A_527 = arith.constant 8960 : i32
    %dma_start3A_528 = tpu.memref_slice %arg5[%dma_start3A_527] : memref<10240xi32, #tpu.memory_space<vmem>> -> memref<320xi32, #tpu.memory_space<vmem>>
    %dma_start3A_529 = arith.constant 0 : i32
    %dma_start3A_530 = arith.constant 0 : i32
    %dma_start3A_531 = tpu.memref_slice %arg3[%dma_start3A_529, %dma_start3A_530] : memref<1000001x64xf32, #tpu.memory_space<hbm>> -> memref<1000001x64xf32, #tpu.memory_space<hbm>>
    tpu.enqueue_indirect_dma source(%dma_start3A_531 : memref<1000001x64xf32, #tpu.memory_space<hbm>>) target(%arg6 : memref<320x64xf32, #tpu.memory_space<vmem>>) offsets(%dma_start3A_528 : memref<320xi32, #tpu.memory_space<vmem>>) semaphore(%arg10 : memref<!tpu.dma_semaphore, #tpu.memory_space<semaphore_mem>>)
    %dma_wait3A_532 = arith.constant 8320 : i32
    %dma_wait3A_533 = tpu.memref_slice %arg5[%dma_wait3A_532] : memref<10240xi32, #tpu.memory_space<vmem>> -> memref<320xi32, #tpu.memory_space<vmem>>
    %dma_wait3A_534 = arith.constant 0 : i32
    %dma_wait3A_535 = arith.constant 0 : i32
    %dma_wait3A_536 = tpu.memref_slice %arg3[%dma_wait3A_534, %dma_wait3A_535] : memref<1000001x64xf32, #tpu.memory_space<hbm>> -> memref<1000001x64xf32, #tpu.memory_space<hbm>>
    tpu.wait_indirect_dma semaphore(%arg12 : memref<!tpu.dma_semaphore, #tpu.memory_space<semaphore_mem>>) src(%dma_wait3A_536 : memref<1000001x64xf32, #tpu.memory_space<hbm>>) dst(%arg8 : memref<320x64xf32, #tpu.memory_space<vmem>>)
    %add3A_537 = arith.constant 8320 : i32
    %add3A_538 = arith.addi %mul3A_2, %add3A_537 : i32
    %dma_start3A_539 = arith.constant 0 : i32
    %dma_start3A_540 = tpu.memref_slice %arg4[%add3A_538, %dma_start3A_539] : memref<327680x64xf32, #tpu.memory_space<hbm>> -> memref<320x64xf32, #tpu.memory_space<hbm>>
    %dma_start3A_541 = arith.constant 0 : i32
    %dma_start3A_542 = tpu.memref_slice %arg4[%add3A_538, %dma_start3A_541] : memref<327680x64xf32, #tpu.memory_space<hbm>> -> memref<320x64xf32, #tpu.memory_space<hbm>>
    tpu.enqueue_dma source(%arg8 : memref<320x64xf32, #tpu.memory_space<vmem>>) target(%dma_start3A_542 : memref<320x64xf32, #tpu.memory_space<hbm>>) target_semaphore(%arg16 : memref<!tpu.dma_semaphore, #tpu.memory_space<semaphore_mem>>)
    %dma_wait3A_543 = arith.constant 0 : i32
    %dma_wait3A_544 = tpu.memref_slice %arg4[%add3A_518, %dma_wait3A_543] : memref<327680x64xf32, #tpu.memory_space<hbm>> -> memref<320x64xf32, #tpu.memory_space<hbm>>
    %dma_wait3A_545 = arith.constant 0 : i32
    %dma_wait3A_546 = tpu.memref_slice %arg4[%add3A_518, %dma_wait3A_545] : memref<327680x64xf32, #tpu.memory_space<hbm>> -> memref<320x64xf32, #tpu.memory_space<hbm>>
    tpu.wait_dma2 semaphore(%arg15 : memref<!tpu.dma_semaphore, #tpu.memory_space<semaphore_mem>>) src(%arg7 : memref<320x64xf32, #tpu.memory_space<vmem>>) dst(%dma_wait3A_546 : memref<320x64xf32, #tpu.memory_space<hbm>>)
    %dma_start3A_547 = arith.constant 9280 : i32
    %dma_start3A_548 = tpu.memref_slice %arg5[%dma_start3A_547] : memref<10240xi32, #tpu.memory_space<vmem>> -> memref<320xi32, #tpu.memory_space<vmem>>
    %dma_start3A_549 = arith.constant 0 : i32
    %dma_start3A_550 = arith.constant 0 : i32
    %dma_start3A_551 = tpu.memref_slice %arg3[%dma_start3A_549, %dma_start3A_550] : memref<1000001x64xf32, #tpu.memory_space<hbm>> -> memref<1000001x64xf32, #tpu.memory_space<hbm>>
    tpu.enqueue_indirect_dma source(%dma_start3A_551 : memref<1000001x64xf32, #tpu.memory_space<hbm>>) target(%arg7 : memref<320x64xf32, #tpu.memory_space<vmem>>) offsets(%dma_start3A_548 : memref<320xi32, #tpu.memory_space<vmem>>) semaphore(%arg11 : memref<!tpu.dma_semaphore, #tpu.memory_space<semaphore_mem>>)
    %dma_wait3A_552 = arith.constant 8640 : i32
    %dma_wait3A_553 = tpu.memref_slice %arg5[%dma_wait3A_552] : memref<10240xi32, #tpu.memory_space<vmem>> -> memref<320xi32, #tpu.memory_space<vmem>>
    %dma_wait3A_554 = arith.constant 0 : i32
    %dma_wait3A_555 = arith.constant 0 : i32
    %dma_wait3A_556 = tpu.memref_slice %arg3[%dma_wait3A_554, %dma_wait3A_555] : memref<1000001x64xf32, #tpu.memory_space<hbm>> -> memref<1000001x64xf32, #tpu.memory_space<hbm>>
    tpu.wait_indirect_dma semaphore(%arg13 : memref<!tpu.dma_semaphore, #tpu.memory_space<semaphore_mem>>) src(%dma_wait3A_556 : memref<1000001x64xf32, #tpu.memory_space<hbm>>) dst(%arg9 : memref<320x64xf32, #tpu.memory_space<vmem>>)
    %add3A_557 = arith.constant 8640 : i32
    %add3A_558 = arith.addi %mul3A_2, %add3A_557 : i32
    %dma_start3A_559 = arith.constant 0 : i32
    %dma_start3A_560 = tpu.memref_slice %arg4[%add3A_558, %dma_start3A_559] : memref<327680x64xf32, #tpu.memory_space<hbm>> -> memref<320x64xf32, #tpu.memory_space<hbm>>
    %dma_start3A_561 = arith.constant 0 : i32
    %dma_start3A_562 = tpu.memref_slice %arg4[%add3A_558, %dma_start3A_561] : memref<327680x64xf32, #tpu.memory_space<hbm>> -> memref<320x64xf32, #tpu.memory_space<hbm>>
    tpu.enqueue_dma source(%arg9 : memref<320x64xf32, #tpu.memory_space<vmem>>) target(%dma_start3A_562 : memref<320x64xf32, #tpu.memory_space<hbm>>) target_semaphore(%arg17 : memref<!tpu.dma_semaphore, #tpu.memory_space<semaphore_mem>>)
    %dma_wait3A_563 = arith.constant 0 : i32
    %dma_wait3A_564 = tpu.memref_slice %arg4[%add3A_538, %dma_wait3A_563] : memref<327680x64xf32, #tpu.memory_space<hbm>> -> memref<320x64xf32, #tpu.memory_space<hbm>>
    %dma_wait3A_565 = arith.constant 0 : i32
    %dma_wait3A_566 = tpu.memref_slice %arg4[%add3A_538, %dma_wait3A_565] : memref<327680x64xf32, #tpu.memory_space<hbm>> -> memref<320x64xf32, #tpu.memory_space<hbm>>
    tpu.wait_dma2 semaphore(%arg16 : memref<!tpu.dma_semaphore, #tpu.memory_space<semaphore_mem>>) src(%arg8 : memref<320x64xf32, #tpu.memory_space<vmem>>) dst(%dma_wait3A_566 : memref<320x64xf32, #tpu.memory_space<hbm>>)
    %dma_start3A_567 = arith.constant 9600 : i32
    %dma_start3A_568 = tpu.memref_slice %arg5[%dma_start3A_567] : memref<10240xi32, #tpu.memory_space<vmem>> -> memref<320xi32, #tpu.memory_space<vmem>>
    %dma_start3A_569 = arith.constant 0 : i32
    %dma_start3A_570 = arith.constant 0 : i32
    %dma_start3A_571 = tpu.memref_slice %arg3[%dma_start3A_569, %dma_start3A_570] : memref<1000001x64xf32, #tpu.memory_space<hbm>> -> memref<1000001x64xf32, #tpu.memory_space<hbm>>
    tpu.enqueue_indirect_dma source(%dma_start3A_571 : memref<1000001x64xf32, #tpu.memory_space<hbm>>) target(%arg8 : memref<320x64xf32, #tpu.memory_space<vmem>>) offsets(%dma_start3A_568 : memref<320xi32, #tpu.memory_space<vmem>>) semaphore(%arg12 : memref<!tpu.dma_semaphore, #tpu.memory_space<semaphore_mem>>)
    %dma_wait3A_572 = arith.constant 8960 : i32
    %dma_wait3A_573 = tpu.memref_slice %arg5[%dma_wait3A_572] : memref<10240xi32, #tpu.memory_space<vmem>> -> memref<320xi32, #tpu.memory_space<vmem>>
    %dma_wait3A_574 = arith.constant 0 : i32
    %dma_wait3A_575 = arith.constant 0 : i32
    %dma_wait3A_576 = tpu.memref_slice %arg3[%dma_wait3A_574, %dma_wait3A_575] : memref<1000001x64xf32, #tpu.memory_space<hbm>> -> memref<1000001x64xf32, #tpu.memory_space<hbm>>
    tpu.wait_indirect_dma semaphore(%arg10 : memref<!tpu.dma_semaphore, #tpu.memory_space<semaphore_mem>>) src(%dma_wait3A_576 : memref<1000001x64xf32, #tpu.memory_space<hbm>>) dst(%arg6 : memref<320x64xf32, #tpu.memory_space<vmem>>)
    %add3A_577 = arith.constant 8960 : i32
    %add3A_578 = arith.addi %mul3A_2, %add3A_577 : i32
    %dma_start3A_579 = arith.constant 0 : i32
    %dma_start3A_580 = tpu.memref_slice %arg4[%add3A_578, %dma_start3A_579] : memref<327680x64xf32, #tpu.memory_space<hbm>> -> memref<320x64xf32, #tpu.memory_space<hbm>>
    %dma_start3A_581 = arith.constant 0 : i32
    %dma_start3A_582 = tpu.memref_slice %arg4[%add3A_578, %dma_start3A_581] : memref<327680x64xf32, #tpu.memory_space<hbm>> -> memref<320x64xf32, #tpu.memory_space<hbm>>
    tpu.enqueue_dma source(%arg6 : memref<320x64xf32, #tpu.memory_space<vmem>>) target(%dma_start3A_582 : memref<320x64xf32, #tpu.memory_space<hbm>>) target_semaphore(%arg14 : memref<!tpu.dma_semaphore, #tpu.memory_space<semaphore_mem>>)
    %dma_wait3A_583 = arith.constant 0 : i32
    %dma_wait3A_584 = tpu.memref_slice %arg4[%add3A_558, %dma_wait3A_583] : memref<327680x64xf32, #tpu.memory_space<hbm>> -> memref<320x64xf32, #tpu.memory_space<hbm>>
    %dma_wait3A_585 = arith.constant 0 : i32
    %dma_wait3A_586 = tpu.memref_slice %arg4[%add3A_558, %dma_wait3A_585] : memref<327680x64xf32, #tpu.memory_space<hbm>> -> memref<320x64xf32, #tpu.memory_space<hbm>>
    tpu.wait_dma2 semaphore(%arg17 : memref<!tpu.dma_semaphore, #tpu.memory_space<semaphore_mem>>) src(%arg9 : memref<320x64xf32, #tpu.memory_space<vmem>>) dst(%dma_wait3A_586 : memref<320x64xf32, #tpu.memory_space<hbm>>)
    %dma_start3A_587 = arith.constant 9920 : i32
    %dma_start3A_588 = tpu.memref_slice %arg5[%dma_start3A_587] : memref<10240xi32, #tpu.memory_space<vmem>> -> memref<320xi32, #tpu.memory_space<vmem>>
    %dma_start3A_589 = arith.constant 0 : i32
    %dma_start3A_590 = arith.constant 0 : i32
    %dma_start3A_591 = tpu.memref_slice %arg3[%dma_start3A_589, %dma_start3A_590] : memref<1000001x64xf32, #tpu.memory_space<hbm>> -> memref<1000001x64xf32, #tpu.memory_space<hbm>>
    tpu.enqueue_indirect_dma source(%dma_start3A_591 : memref<1000001x64xf32, #tpu.memory_space<hbm>>) target(%arg9 : memref<320x64xf32, #tpu.memory_space<vmem>>) offsets(%dma_start3A_588 : memref<320xi32, #tpu.memory_space<vmem>>) semaphore(%arg13 : memref<!tpu.dma_semaphore, #tpu.memory_space<semaphore_mem>>)
    %dma_wait3A_592 = arith.constant 9280 : i32
    %dma_wait3A_593 = tpu.memref_slice %arg5[%dma_wait3A_592] : memref<10240xi32, #tpu.memory_space<vmem>> -> memref<320xi32, #tpu.memory_space<vmem>>
    %dma_wait3A_594 = arith.constant 0 : i32
    %dma_wait3A_595 = arith.constant 0 : i32
    %dma_wait3A_596 = tpu.memref_slice %arg3[%dma_wait3A_594, %dma_wait3A_595] : memref<1000001x64xf32, #tpu.memory_space<hbm>> -> memref<1000001x64xf32, #tpu.memory_space<hbm>>
    tpu.wait_indirect_dma semaphore(%arg11 : memref<!tpu.dma_semaphore, #tpu.memory_space<semaphore_mem>>) src(%dma_wait3A_596 : memref<1000001x64xf32, #tpu.memory_space<hbm>>) dst(%arg7 : memref<320x64xf32, #tpu.memory_space<vmem>>)
    %add3A_597 = arith.constant 9280 : i32
    %add3A_598 = arith.addi %mul3A_2, %add3A_597 : i32
    %dma_start3A_599 = arith.constant 0 : i32
    %dma_start3A_600 = tpu.memref_slice %arg4[%add3A_598, %dma_start3A_599] : memref<327680x64xf32, #tpu.memory_space<hbm>> -> memref<320x64xf32, #tpu.memory_space<hbm>>
    %dma_start3A_601 = arith.constant 0 : i32
    %dma_start3A_602 = tpu.memref_slice %arg4[%add3A_598, %dma_start3A_601] : memref<327680x64xf32, #tpu.memory_space<hbm>> -> memref<320x64xf32, #tpu.memory_space<hbm>>
    tpu.enqueue_dma source(%arg7 : memref<320x64xf32, #tpu.memory_space<vmem>>) target(%dma_start3A_602 : memref<320x64xf32, #tpu.memory_space<hbm>>) target_semaphore(%arg15 : memref<!tpu.dma_semaphore, #tpu.memory_space<semaphore_mem>>)
    %dma_wait3A_603 = arith.constant 9600 : i32
    %dma_wait3A_604 = tpu.memref_slice %arg5[%dma_wait3A_603] : memref<10240xi32, #tpu.memory_space<vmem>> -> memref<320xi32, #tpu.memory_space<vmem>>
    %dma_wait3A_605 = arith.constant 0 : i32
    %dma_wait3A_606 = arith.constant 0 : i32
    %dma_wait3A_607 = tpu.memref_slice %arg3[%dma_wait3A_605, %dma_wait3A_606] : memref<1000001x64xf32, #tpu.memory_space<hbm>> -> memref<1000001x64xf32, #tpu.memory_space<hbm>>
    tpu.wait_indirect_dma semaphore(%arg12 : memref<!tpu.dma_semaphore, #tpu.memory_space<semaphore_mem>>) src(%dma_wait3A_607 : memref<1000001x64xf32, #tpu.memory_space<hbm>>) dst(%arg8 : memref<320x64xf32, #tpu.memory_space<vmem>>)
    %add3A_608 = arith.constant 9600 : i32
    %add3A_609 = arith.addi %mul3A_2, %add3A_608 : i32
    %dma_start3A_610 = arith.constant 0 : i32
    %dma_start3A_611 = tpu.memref_slice %arg4[%add3A_609, %dma_start3A_610] : memref<327680x64xf32, #tpu.memory_space<hbm>> -> memref<320x64xf32, #tpu.memory_space<hbm>>
    %dma_start3A_612 = arith.constant 0 : i32
    %dma_start3A_613 = tpu.memref_slice %arg4[%add3A_609, %dma_start3A_612] : memref<327680x64xf32, #tpu.memory_space<hbm>> -> memref<320x64xf32, #tpu.memory_space<hbm>>
    tpu.enqueue_dma source(%arg8 : memref<320x64xf32, #tpu.memory_space<vmem>>) target(%dma_start3A_613 : memref<320x64xf32, #tpu.memory_space<hbm>>) target_semaphore(%arg16 : memref<!tpu.dma_semaphore, #tpu.memory_space<semaphore_mem>>)
    %dma_wait3A_614 = arith.constant 9920 : i32
    %dma_wait3A_615 = tpu.memref_slice %arg5[%dma_wait3A_614] : memref<10240xi32, #tpu.memory_space<vmem>> -> memref<320xi32, #tpu.memory_space<vmem>>
    %dma_wait3A_616 = arith.constant 0 : i32
    %dma_wait3A_617 = arith.constant 0 : i32
    %dma_wait3A_618 = tpu.memref_slice %arg3[%dma_wait3A_616, %dma_wait3A_617] : memref<1000001x64xf32, #tpu.memory_space<hbm>> -> memref<1000001x64xf32, #tpu.memory_space<hbm>>
    tpu.wait_indirect_dma semaphore(%arg13 : memref<!tpu.dma_semaphore, #tpu.memory_space<semaphore_mem>>) src(%dma_wait3A_618 : memref<1000001x64xf32, #tpu.memory_space<hbm>>) dst(%arg9 : memref<320x64xf32, #tpu.memory_space<vmem>>)
    %add3A_619 = arith.constant 9920 : i32
    %add3A_620 = arith.addi %mul3A_2, %add3A_619 : i32
    %dma_start3A_621 = arith.constant 0 : i32
    %dma_start3A_622 = tpu.memref_slice %arg4[%add3A_620, %dma_start3A_621] : memref<327680x64xf32, #tpu.memory_space<hbm>> -> memref<320x64xf32, #tpu.memory_space<hbm>>
    %dma_start3A_623 = arith.constant 0 : i32
    %dma_start3A_624 = tpu.memref_slice %arg4[%add3A_620, %dma_start3A_623] : memref<327680x64xf32, #tpu.memory_space<hbm>> -> memref<320x64xf32, #tpu.memory_space<hbm>>
    tpu.enqueue_dma source(%arg9 : memref<320x64xf32, #tpu.memory_space<vmem>>) target(%dma_start3A_624 : memref<320x64xf32, #tpu.memory_space<hbm>>) target_semaphore(%arg17 : memref<!tpu.dma_semaphore, #tpu.memory_space<semaphore_mem>>)
    %dma_wait3A_625 = arith.constant 0 : i32
    %dma_wait3A_626 = tpu.memref_slice %arg4[%add3A_578, %dma_wait3A_625] : memref<327680x64xf32, #tpu.memory_space<hbm>> -> memref<320x64xf32, #tpu.memory_space<hbm>>
    %dma_wait3A_627 = arith.constant 0 : i32
    %dma_wait3A_628 = tpu.memref_slice %arg4[%add3A_578, %dma_wait3A_627] : memref<327680x64xf32, #tpu.memory_space<hbm>> -> memref<320x64xf32, #tpu.memory_space<hbm>>
    tpu.wait_dma2 semaphore(%arg14 : memref<!tpu.dma_semaphore, #tpu.memory_space<semaphore_mem>>) src(%arg6 : memref<320x64xf32, #tpu.memory_space<vmem>>) dst(%dma_wait3A_628 : memref<320x64xf32, #tpu.memory_space<hbm>>)
    %dma_wait3A_629 = arith.constant 0 : i32
    %dma_wait3A_630 = tpu.memref_slice %arg4[%add3A_598, %dma_wait3A_629] : memref<327680x64xf32, #tpu.memory_space<hbm>> -> memref<320x64xf32, #tpu.memory_space<hbm>>
    %dma_wait3A_631 = arith.constant 0 : i32
    %dma_wait3A_632 = tpu.memref_slice %arg4[%add3A_598, %dma_wait3A_631] : memref<327680x64xf32, #tpu.memory_space<hbm>> -> memref<320x64xf32, #tpu.memory_space<hbm>>
    tpu.wait_dma2 semaphore(%arg15 : memref<!tpu.dma_semaphore, #tpu.memory_space<semaphore_mem>>) src(%arg7 : memref<320x64xf32, #tpu.memory_space<vmem>>) dst(%dma_wait3A_632 : memref<320x64xf32, #tpu.memory_space<hbm>>)
    %dma_wait3A_633 = arith.constant 0 : i32
    %dma_wait3A_634 = tpu.memref_slice %arg4[%add3A_609, %dma_wait3A_633] : memref<327680x64xf32, #tpu.memory_space<hbm>> -> memref<320x64xf32, #tpu.memory_space<hbm>>
    %dma_wait3A_635 = arith.constant 0 : i32
    %dma_wait3A_636 = tpu.memref_slice %arg4[%add3A_609, %dma_wait3A_635] : memref<327680x64xf32, #tpu.memory_space<hbm>> -> memref<320x64xf32, #tpu.memory_space<hbm>>
    tpu.wait_dma2 semaphore(%arg16 : memref<!tpu.dma_semaphore, #tpu.memory_space<semaphore_mem>>) src(%arg8 : memref<320x64xf32, #tpu.memory_space<vmem>>) dst(%dma_wait3A_636 : memref<320x64xf32, #tpu.memory_space<hbm>>)
    %dma_wait3A_637 = arith.constant 0 : i32
    %dma_wait3A_638 = tpu.memref_slice %arg4[%add3A_620, %dma_wait3A_637] : memref<327680x64xf32, #tpu.memory_space<hbm>> -> memref<320x64xf32, #tpu.memory_space<hbm>>
    %dma_wait3A_639 = arith.constant 0 : i32
    %dma_wait3A_640 = tpu.memref_slice %arg4[%add3A_620, %dma_wait3A_639] : memref<327680x64xf32, #tpu.memory_space<hbm>> -> memref<320x64xf32, #tpu.memory_space<hbm>>
    tpu.wait_dma2 semaphore(%arg17 : memref<!tpu.dma_semaphore, #tpu.memory_space<semaphore_mem>>) src(%arg9 : memref<320x64xf32, #tpu.memory_space<vmem>>) dst(%dma_wait3A_640 : memref<320x64xf32, #tpu.memory_space<hbm>>)
    return
  }
}

</mosaic_0001>

<sc_bundles>
// kernel: kernel.3.cloned.1.call-start
scs
__scs_entry_jumppad:
0x0: {  	(pc) =	sbr.rel $0x88, $3  }
0x1: {  	(tag) =	ssettag $0x0;
	lr =	simm.s32 $0x1  }
0x2: {  	[smem:$0x3F9F] =	sst lr;
	_ =	strace $0xD0000000  }
0x3: {  	_ = 	snop  }
0x4: {  	_ = 	snop  }
0x5: {  	_ = 	snop  }
0x6: {  	_ = 	snop  }
0x7: {  	_ = 	snop  }
__scs_overlays_trampoline_lowered:
0x8: {  	[smem:$0x3FAE] =	sst s0  }
0x9: {  	[smem:$0x3FAF] =	sst s1  }
0xa: {  	[smem:$0x3FB0] =	sst s2  }
0xb: {  	[smem:$0x3FB1] =	sst s3  }
0xc: {  	[smem:$0x3FB2] =	sst s4  }
0xd: {  	[smem:$0x3FB3] =	sst s5  }
0xe: {  	[smem:$0x3FB4] =	sst s6  }
0xf: {  	[smem:$0x3FB5] =	sst s7  }
0x10: {  	[smem:$0x3FB6] =	sst s8  }
0x11: {  	[smem:$0x3FB7] =	sst s9;
	s0 =	simm.s32 @!p0 $0x0  }
0x12: {  	s1 =	sld [smem:$0x3F9D];
	s0 =	simm.s32 @p0 $0x1  }
0x13: {  	[smem:$0x3FB8] =	sst s0;
	s0 =	simm.s32 @!p1 $0x0  }
0x14: {  	s2 =	sld [smem:$0x3F9C];
	s0 =	simm.s32 @p1 $0x1  }
0x15: {  	[smem:$0x3FB9] =	sst s0;
	s0 =	simm.s32 @!p2 $0x0  }
0x16: {  	s3 =	sld [smem:$0x3FDB];
	s0 =	simm.s32 @p2 $0x1  }
0x17: {  	s4 =	simm.s32 $0x1BF5;
	[smem:$0x3FBB] =	sst s0  }
0x18: {  	s0 =	sld [smem:$0x3F9E];
	_ =	swait.ge [sflag:s4], $0x0  }
0x19: {  	s7 =	sld [smem:$0x3F9F]  }
0x1a: {  	s8 =	sadd.s32 $0xFFFFE003, lr  }
0x1b: {  	s9 =	sadd.s32 $0xFFFFFEF7, lr;
	s5 =	simm.s32 $0xFFFFFFFF;
	p2 =	slt.u32 s8, $0xFFFFF086  }
0x1c: {  	p1 =	slt.u32 s9, $0xF7A;
	s5 =	simm.s32 @!p2 $0x0  }
0x1d: {  	s5 =	simm.s32 @p1 $0x1;
	p0 =	seq.s32 s7, s2  }
0x1e: {  	s7 =	smul.u32 @!p0 $0xF7A, s2;
	p2 =	seq.s32 @!p0 s5, $0x0  }
0x1f: {  	s9 =	smul.u32 $0xF7A, s1;
	s8 =	simm.s32 @!p0 $0x1BF5;
	p2 =	por !p2, p0  }
0x20: {  	[sflag:s8] =	ssyncset.s32 @!p0 $0xFFFFF086;
	s6 =	sadd.s32 @!p0 s3, s7;
	s7 =	simm.s32 @!p0 $0x108  }
0x21: {  	s3 =	sadd.s32 s3, s9;
	s6 =	sadd.s32 @!p0 $0x88, s6;
	s7 =	simm.s32 @p2 $0x1082  }
0x22: {  	[simem:s7], [sflag:s8] =	dma.local @!p0 [hbm:s6], $0xF7A  }
0x23: {  	s9 =	sor.u32 $0xD0000000, s2;
	s6 =	simm.s32 $0x108;
	_ =	swait.ge @!p0 [sflag:s8], $0x0  }
0x24: {  	s3 =	sadd.s32 $0x88, s3;
	s6 =	simm.s32 @!p1 $0x1082;
	[sflag:s4] =	ssyncset.s32 $0xFFFFF086  }
0x25: {  	[simem:s6], [sflag:s4] =	dma.local [hbm:s3], $0xF7A  }
0x26: {  	[smem:$0x3F9F] =	sst s1;
	(tag) =	ssettag s2;
	_ =	strace s9  }
0x27: {  	s1 =	sld [smem:$0x3FAF]  }
0x28: {  	s2 =	sld [smem:$0x3FB0]  }
0x29: {  	s4 =	sld [smem:$0x3FB2]  }
0x2a: {  	p0 =	seq.s32 s5, $0x0;
	s5 =	sld [smem:$0x3FB3]  }
0x2b: {  	s6 =	sld [smem:$0x3FB4]  }
0x2c: {  	s7 =	sld [smem:$0x3FB5]  }
0x2d: {  	s3 =	simm.s32 $0x108;
	s8 =	sld [smem:$0x3FB6]  }
0x2e: {  	s3 =	simm.s32 @!p0 $0x1082;
	s9 =	sld [smem:$0x3FB7]  }
0x2f: {  	lr =	sadd.s32 s0, s3;
	s0 =	sld [smem:$0x3FAE]  }
0x30: {  	s3 =	sld [smem:$0x3FB1]  }
0x31: {  	[smem:$0x3FBA] =	sst s10  }
0x32: {  	s10 =	sld [smem:$0x3FB8];
	_ =	sdelay $0x3  }
0x33: {  	p0 =	seq.s32 s10, $0x1;
	s10 =	sld [smem:$0x3FBA];
	_ =	sdelay $0x3  }
0x34: {  	[smem:$0x3FBA] =	sst s10  }
0x35: {  	s10 =	sld [smem:$0x3FB9];
	_ =	sdelay $0x3  }
0x36: {  	p1 =	seq.s32 s10, $0x1;
	s10 =	sld [smem:$0x3FBA];
	_ =	sdelay $0x3  }
0x37: {  	[smem:$0x3FBA] =	sst s10  }
0x38: {  	s10 =	sld [smem:$0x3FBB]  }
0x39: {  	_ = 	snop;
	(pc) =	sbr.ind lr, $3  }
0x3a: {  	_ = 	snop  }
0x3b: {  	_ = 	snop  }
0x3c: {  	p2 =	seq.s32 s10, $0x1;
	s10 =	sld [smem:$0x3FBA]  }
0x3d: {  	_ =	shalt  }
0x3e: {  	_ =	shalt  }
0x3f: {  	_ =	shalt  }
0x40: {  	_ =	shalt  }
0x41: {  	_ =	shalt  }
0x42: {  	_ =	shalt  }
0x43: {  	_ =	shalt  }
0x44: {  	_ =	shalt  }
0x45: {  	_ =	shalt  }
0x46: {  	_ =	shalt  }
0x47: {  	_ =	shalt  }
0x48: {  	_ =	shalt  }
0x49: {  	_ =	shalt  }
0x4a: {  	_ =	shalt  }
0x4b: {  	_ =	shalt  }
0x4c: {  	_ =	shalt  }
0x4d: {  	_ =	shalt  }
0x4e: {  	_ =	shalt  }
0x4f: {  	_ =	shalt  }
0x50: {  	_ =	shalt  }
0x51: {  	_ =	shalt  }
0x52: {  	_ =	shalt  }
0x53: {  	_ =	shalt  }
0x54: {  	_ =	shalt  }
0x55: {  	_ =	shalt  }
0x56: {  	_ =	shalt  }
0x57: {  	_ =	shalt  }
0x58: {  	_ =	shalt  }
0x59: {  	_ =	shalt  }
0x5a: {  	_ =	shalt  }
0x5b: {  	_ =	shalt  }
0x5c: {  	_ =	shalt  }
0x5d: {  	_ =	shalt  }
0x5e: {  	_ =	shalt  }
0x5f: {  	_ =	shalt  }
0x60: {  	_ =	shalt  }
0x61: {  	_ =	shalt  }
0x62: {  	_ =	shalt  }
0x63: {  	_ =	shalt  }
0x64: {  	_ =	shalt  }
0x65: {  	_ =	shalt  }
0x66: {  	_ =	shalt  }
0x67: {  	_ =	shalt  }
0x68: {  	_ =	shalt  }
0x69: {  	_ =	shalt  }
0x6a: {  	_ =	shalt  }
0x6b: {  	_ =	shalt  }
0x6c: {  	_ =	shalt  }
0x6d: {  	_ =	shalt  }
0x6e: {  	_ =	shalt  }
0x6f: {  	_ =	shalt  }
0x70: {  	_ =	shalt  }
0x71: {  	_ =	shalt  }
0x72: {  	_ =	shalt  }
0x73: {  	_ =	shalt  }
0x74: {  	_ =	shalt  }
0x75: {  	_ =	shalt  }
0x76: {  	_ =	shalt  }
0x77: {  	_ =	shalt  }
0x78: {  	_ =	shalt  }
0x79: {  	_ =	shalt  }
0x7a: {  	_ =	shalt  }
0x7b: {  	_ =	shalt  }
0x7c: {  	_ =	shalt  }
0x7d: {  	_ =	shalt  }
0x7e: {  	_ =	shalt  }
0x7f: {  	_ =	shalt  }
0x80: {  	_ =	shalt  }
0x81: {  	_ =	shalt  }
0x82: {  	_ =	shalt  }
0x83: {  	_ =	shalt  }
0x84: {  	_ =	shalt  }
0x85: {  	_ =	shalt  }
0x86: {  	_ =	shalt  }
0x87: {  	_ =	shalt  }
.Lfunc_end0:
.L_simem_size_0:
called_computation.1_lowered:
.L_overlay_start_0:
0x88: {  	s2 =	sld [smem:$0x3FD9]  }
0x89: {  	s3 =	sld [smem:$0x3FFE];
	_ =	sdelay $0x1  }
0x8a: {  	s1 =	srdreg.scid  }
0x8b: {  	s0 =	sand.u32 $0x1, s1  }
0x8c: {  	s17 =	sshll.u32 s0, $0xA;
	s2 =	sadd.s32 s3, s2  }
0x8d: {  	s2 =	sadd.s32 s2, s17  }
0x8e: {  	[smem:$0x3FC6] =	sst s2  }
0x8f: {  	_ = 	snop  }
0x90: {  	s2 =	sld [smem:$0x3FD0];
	(tm) =	ssettm $0x1  }
0x91: {  	s18 =	sld [smem:$0x3FFB];
	_ =	sdelay $0x3  }
0x92: {  	_ =	strace s18  }
0x93: {  	s3 =	sld [smem:$0x3FFC];
	_ =	sdelay $0x3  }
0x94: {  	_ =	strace s3  }
0x95: {  	s3 =	sld [smem:$0x3FFD];
	_ =	sdelay $0x3  }
0x96: {  	_ =	strace s3  }
0x97: {  	_ =	strace $0x8FFFFFFF  }
0x98: {  	s19 =	sld [smem:$0x3FDB];
	_ =	sdelay $0x1  }
0x99: {  	s4 =	simm.s32 $_scs_section_size  }
0x9a: {  	s5 =	simm.s32 $_size__tile_overlayer_lowered;
	s6 =	simm.s32 $_tile_overlayer_lowered  }
0x9b: {  	s22 =	simm.s32 $0x1BFF;
	s21 =	sshll.u32 s6, $0x1;
	s3 =	sadd.s32 s4, s19  }
0x9c: {  	s7 =	simm.s32 $0x0;
	s20 =	sshll.u32 s5, $0x1;
	s5 =	sadd.s32 s21, s3  }
0x9d: {  	[timem:s7], [sflag:s22] =	dma.local [hbm:s5], s20  }
0x9e: {  	_ =	swait.ge [sflag:s22], s20  }
0x9f: {  	s4 =	ssub.s32 $0x0, s20;
	[sflag:s22] =	ssyncset.done $0x0  }
0xa0: {  	[sflag:s22] =	ssyncadd.s32 s4;
	_ =	sdelay $0x1  }
0xa1: {  	s23 =	simm.s32 $0x1B8B  }
0xa2: {  	_ =	swait.ge [sflag:s23], $0x1  }
0xa3: {  	[sflag:s23] =	ssyncset.done $0x0  }
0xa4: {  	s25 =	simm.s32 $0x1B8E;
	s24 =	sld [smem:$0x3FFE];
	[sflag:s23] =	ssyncadd.s32 $0xFFFFFFFF  }
0xa5: {  	s26 =	simm.s32 $execute0_lowered;
	[smem:$0x3FD2] =	sst s25  }
0xa6: {  	s5 =	sshll.u32 s26, $0x1;
	_ =	strace $0x80000046;
	[dreg:$0x1] =	wrdreg $0xFFFFFFFF  }
0xa7: {  	s28 =	simm.s32 $_size_execute0_lowered;
	s3 =	sadd.s32 s3, s5;
	[dreg:$0x0] =	wrdreg $0x0  }
0xa8: {  	s5 =	sshll.u32 s28, $0x1;
	[dreg:$0x2] =	wrdreg s3  }
0xa9: {  	[dreg:$0x3] =	wrdreg s5  }
0xaa: {  	[dreg:$0x4] =	wrdreg $0xC0  }
0xab: {  	_ =	task [dreg:s7], $0x5FFFF  }
0xac: {  	[dreg:$0x1] =	wrdreg $0xFFFFFFFF  }
0xad: {  	[dreg:$0x0] =	wrdreg $0x60  }
0xae: {  	[dreg:$0x2] =	wrdreg s24  }
0xaf: {  	[dreg:$0x3] =	wrdreg s2  }
0xb0: {  	[dreg:$0x4] =	wrdreg $0x9  }
0xb1: {  	_ =	task.clear_ibuf [dreg:s7], $0x5FFFF;
	_ =	strace $0x90000046  }
0xb2: {  	s29 =	simm.s32 $0x9;
	_ =	strace $0x80000048  }
0xb3: {  	_ =	swait.ge [sflag:s29], $0x1  }
0xb4: {  	[sflag:s29] =	ssyncadd.s32 $0xFFFFFFFF  }
0xb5: {  	_ =	strace $0x90000048  }
0xb6: {  	_ =	sfence  }
0xb7: {  	s30 =	sld [smem:$0x0];
	_ =	sdelay $0x2  }
0xb8: {  	s31 =	sshll.u32 s1, $0xD;
	s1 =	sshrl.u32 s1, $0x2  }
0xb9: {  	s3 =	sand.u32 $0x4000, s31;
	s1 =	sadd.s32 s1, s30  }
0xba: {  	s0 =	sor.u32 s3, s0;
	s1 =	sshll.u32 s1, $0x11  }
0xbb: {  	s0 =	sor.u32 s1, s0  }
0xbc: {  	s0 =	sadd.s32 $0x8F2B, s0  }
0xbd: {  	[sflag:s0] =	ssyncadd.remote.s32 $0x1  }
0xbe: {  	_ =	sfence.sel $0xFFFF  }
0xbf: {  	[dreg:$0x0] =	wrdreg $0xFFFFFFFF;
	(pc) =	sbr.abs _section_cstart, $3  }
0xc0: {  	[dreg:$0x1] =	wrdreg $0xFFFFFFFF  }
0xc1: {  	_ =	task.clear_ibuf [dreg:s7], $0x2FFFF;
	_ =	strace $0x9FFFFFFF  }
0xc2: {  	(tm) =	ssettm $0x7FFFFFFF  }
0xc3: {  	_ =	shalt  }
tec
execute0_lowered:
.L_overlay_start_1:
0x0: {  	(tag) =	ssettag $0x1  }
0x1: {  	s0 =	srdreg.scid;
	s2 =	stileid.u32  }
0x2: {  	s1 =	sand.u32 $0x1, s0;
	s21 =	sshll.u32 s2, $0x1  }
0x3: {  	s0 =	sor.u32 s1, s21  }
0x4: {  	s5 =	smul.u32 $0x500, s0  }
0x5: {  	s3 =	rddreg [dreg:$0x0];
	s6 =	smul.u32 $0x14000, s0  }
0x6: {  	s4 =	rddreg [dreg:$0x1];
	s2 =	simm.s32 $0x0;
	s5 =	sadd.s32 s5, s3  }
0x7: {  	[smem:$0x7FF] =	sst s2;
	s30 =	sadd.s32 s4, s6;
	s5 =	sadd.s32 $0xA00, s5  }
0x8: {  	_ =	strace $0x80000047;
	s22 =	sadd.s32 $0xA00, s30;
	[dreg:$0x3] =	wrdreg s5  }
0x9: {  	s23 =	sadd.s32 $0x1400, s30;
	[dreg:$0x4] =	wrdreg s22  }
0xa: {  	s0 =	smul.u32 $0xA0000, s0;
	s24 =	sadd.s32 $0x1E00, s30;
	[dreg:$0x5] =	wrdreg s23  }
0xb: {  	s25 =	sadd.s32 $0x2800, s30;
	[dreg:$0x6] =	wrdreg s24  }
0xc: {  	s0 =	sshrl.u32 s0, $0x3;
	s26 =	sadd.s32 $0x3200, s30;
	[dreg:$0x7] =	wrdreg s25  }
0xd: {  	s6 =	sadd.s32 $0x3C00, s30;
	s0 =	sadd.s32 s4, s0;
	[dreg:$0x8] =	wrdreg s26  }
0xe: {  	[dreg:$0x9] =	wrdreg s6;
	s4 =	sadd.s32 $0x4600, s0  }
0xf: {  	s7 =	sadd.s32 $0x5000, s0;
	[dreg:$0xa] =	wrdreg s4  }
0x10: {  	s8 =	sadd.s32 $0x5A00, s0;
	[dreg:$0xb] =	wrdreg s7  }
0x11: {  	s9 =	sadd.s32 $0x6400, s0;
	[dreg:$0xc] =	wrdreg s8  }
0x12: {  	s10 =	sadd.s32 $0x6E00, s0;
	[dreg:$0xd] =	wrdreg s9  }
0x13: {  	s11 =	sadd.s32 $0x7800, s0;
	[dreg:$0xe] =	wrdreg s10  }
0x14: {  	s12 =	sadd.s32 $0x8200, s0;
	[dreg:$0xf] =	wrdreg s11  }
0x15: {  	s13 =	sadd.s32 $0x8C00, s0;
	[dreg:$0x10] =	wrdreg s12  }
0x16: {  	s14 =	sadd.s32 $0x9600, s0;
	[dreg:$0x11] =	wrdreg s13  }
0x17: {  	s15 =	sadd.s32 $0xA000, s0;
	[dreg:$0x12] =	wrdreg s14  }
0x18: {  	s16 =	sadd.s32 $0xAA00, s0;
	[dreg:$0x13] =	wrdreg s15  }
0x19: {  	s17 =	sadd.s32 $0xB400, s0;
	[dreg:$0x14] =	wrdreg s16  }
0x1a: {  	s18 =	sadd.s32 $0xBE00, s0;
	[dreg:$0x15] =	wrdreg s17  }
0x1b: {  	s19 =	sadd.s32 $0xC800, s0;
	[dreg:$0x16] =	wrdreg s18  }
0x1c: {  	s20 =	sadd.s32 $0xD200, s0;
	[dreg:$0x17] =	wrdreg s19  }
0x1d: {  	s21 =	sadd.s32 $0xDC00, s0;
	[dreg:$0x18] =	wrdreg s20  }
0x1e: {  	s22 =	sadd.s32 $0xE600, s0;
	[dreg:$0x19] =	wrdreg s21  }
0x1f: {  	s23 =	sadd.s32 $0xF000, s0;
	[dreg:$0x1a] =	wrdreg s22  }
0x20: {  	s24 =	sadd.s32 $0xFA00, s0;
	[dreg:$0x1b] =	wrdreg s23  }
0x21: {  	s25 =	sadd.s32 $0x10400, s0;
	[dreg:$0x1c] =	wrdreg s24  }
0x22: {  	s26 =	sadd.s32 $0x10E00, s0;
	[dreg:$0x1d] =	wrdreg s25  }
0x23: {  	s31 =	simm.s32 $0x9;
	s5 =	sadd.s32 $0x11800, s0;
	[dreg:$0x1e] =	wrdreg s26  }
0x24: {  	s29 =	simm.s32 $0x1900;
	s6 =	sadd.s32 $0x12200, s0;
	[dreg:$0x1f] =	wrdreg s5  }
0x25: {  	s28 =	simm.s32 $0x1A40;
	[smem:$0x7E9] =	sst s6;
	s7 =	sadd.s32 $0x12C00, s0  }
0x26: {  	p0 =	por $0x0, $0x0;
	s0 =	sadd.s32 $0x13600, s0;
	[smem:$0x7EA] =	sst s7  }
0x27: {  	s1 =	ssub.s32 $0x2, s1;
	s8 =	simm.s32 $0x280;
	[smem:$0x7EB] =	sst s0  }
0x28: {  	s3 =	sadd.s32 $0xF43000, s3;
	s9 =	simm.s32 $0x3C0;
	[smem:$0x7EC] =	sst s8  }
0x29: {  	s10 =	sshrl.u32 s1, $0x1;
	s11 =	simm.s32 $0x500;
	[smem:$0x7ED] =	sst s9  }
0x2a: {  	s12 =	simm.s32 $0x640;
	s13 =	simm.s32 $0x780;
	[smem:$0x7EE] =	sst s11  }
0x2b: {  	s14 =	simm.s32 $0x8C0;
	s5 =	simm.s32 $0x140;
	[smem:$0x7EF] =	sst s12  }
0x2c: {  	s15 =	simm.s32 $0xA00;
	s16 =	simm.s32 $0xB40;
	[smem:$0x7F0] =	sst s13  }
0x2d: {  	s17 =	simm.s32 $0xC80;
	s4 =	simm.s32 $0xC800;
	[smem:$0x7F1] =	sst s14  }
0x2e: {  	s18 =	simm.s32 $0xDC0;
	s19 =	simm.s32 $0xF00;
	[smem:$0x7F2] =	sst s15  }
0x2f: {  	s6 =	simm.s32 $0x11800;
	s20 =	simm.s32 $0x1040;
	[smem:$0x7F3] =	sst s16  }
0x30: {  	s21 =	simm.s32 $0x1180;
	s22 =	simm.s32 $0x12C0;
	[smem:$0x7F4] =	sst s17  }
0x31: {  	s23 =	simm.s32 $0x1400;
	s24 =	simm.s32 $0x1540;
	[smem:$0x7F5] =	sst s18  }
0x32: {  	s25 =	simm.s32 $0x1680;
	s26 =	simm.s32 $0x17C0;
	[smem:$0x7F6] =	sst s19  }
0x33: {  	s1 =	ssub.s32 s1, s10;
	s10 =	simm.s32 $0x2800;
	[smem:$0x7F7] =	sst s20  }
0x34: {  	s7 =	simm.s32 $0x7800;
	s16 =	simm.s32 $0x1;
	[smem:$0x7F8] =	sst s21  }
0x35: {  	s13 =	simm.s32 $0x2;
	s8 =	simm.s32 $0x5;
	[smem:$0x7F9] =	sst s22  }
0x36: {  	s14 =	simm.s32 $0x3;
	s9 =	simm.s32 $0x6;
	[smem:$0x7FA] =	sst s23  }
0x37: {  	s15 =	simm.s32 $0x4;
	[smem:$0x7FB] =	sst s24;
	s1 =	smax.u32 s1, $0x1  }
0x38: {  	s11 =	simm.s32 $0x7;
	[smem:$0x7FC] =	sst s25;
	p1 =	sne.s32 s1, $0x1  }
.Ltmp0:
0x39: {  	s12 =	simm.s32 $0x8;
	[smem:$0x7FD] =	sst s26;
	(pc) =	sbr.rel @!p1 .LBB2_3-.Ltmp0, $4  }
0x3a: {  	s26 =	simm.s32 $0x1B80;
	s25 =	simm.s32 $0x1CC0;
	s24 =	simm.s32 $0x1E00  }
0x3b: {  	s23 =	simm.s32 $0x1F40;
	s22 =	simm.s32 $0x2080;
	s21 =	simm.s32 $0x21C0  }
0x3c: {  	s20 =	simm.s32 $0x2300;
	s19 =	simm.s32 $0x2440;
	s18 =	simm.s32 $0x2580  }
0x3d: {  	s17 =	simm.s32 $0x26C0;
	s0 =	rddreg [dreg:$0x3];
	s1 =	sadd.s32 $0xFFFFFFFF, s1  }
0x3e: {  	[tilespmem:s2], [sflag:$0x9] =	stream.linear.gather [hbm4b:s0+s2], $0x2800, $0x38;
	[tilespmem:$0x16800] =	vst v63  }
0x3f: {  	_ =	swait.ge [sflag:s31], $0x2800  }
0x40: {  	[sflag:s31] =	ssyncset.done $0x0  }
0x41: {  	[sflag:s31] =	ssyncadd.s32 $0xFFFFD800  }
0x42: {  	[tilespmem:s10], [sflag:$0x1] =	stream.indirect.gather [hbm4b:s3+s5], $0x40, s2, s5, $0xb8;
	[tilespmem:$0x16800] =	vst v63  }
0x43: {  	s0 =	sld [smem:$0x7EC]  }
0x44: {  	[tilespmem:s7], [sflag:$0x2] =	stream.indirect.gather [hbm4b:s3+s5], $0x40, s5, s5, $0xb8;
	[tilespmem:$0x16800] =	vst v63  }
0x45: {  	_ = 	snop  }
0x46: {  	[tilespmem:s4], [sflag:$0x3] =	stream.indirect.gather [hbm4b:s3+s5], $0x40, s0, s5, $0xb8;
	[tilespmem:$0x16800] =	vst v63  }
0x47: {  	_ =	swait.ge [sflag:s16], $0x5000  }
0x48: {  	[sflag:s16] =	ssyncset.done $0x0  }
0x49: {  	s0 =	sld [smem:$0x7ED];
	[sflag:s16] =	ssyncadd.s32 $0xFFFFB000  }
0x4a: {  	[hbm4b:s30+s2] =	stream.linear.scatter [tilespmem:s10], [sflag:$0x5], $0x5000, $0x38;
	[tilespmem:$0x16800] =	vst v63  }
0x4b: {  	_ = 	snop  }
0x4c: {  	[tilespmem:s6], [sflag:$0x4] =	stream.indirect.gather [hbm4b:s3+s5], $0x40, s0, s5, $0xb8;
	[tilespmem:$0x16800] =	vst v63  }
0x4d: {  	_ =	swait.ge [sflag:s13], $0x5000  }
0x4e: {  	[sflag:s13] =	ssyncset.done $0x0  }
0x4f: {  	s0 =	rddreg [dreg:$0x4];
	[sflag:s13] =	ssyncadd.s32 $0xFFFFB000  }
0x50: {  	[hbm4b:s0+s2] =	stream.linear.scatter [tilespmem:s7], [sflag:$0x6], $0x5000, $0x38;
	[tilespmem:$0x16800] =	vst v63  }
0x51: {  	_ =	swait.ge [sflag:s8], $0x5000  }
0x52: {  	s0 =	sld [smem:$0x7EE]  }
0x53: {  	[sflag:s8] =	ssyncset.done $0x0  }
0x54: {  	[sflag:s8] =	ssyncadd.s32 $0xFFFFB000  }
0x55: {  	[tilespmem:s10], [sflag:$0x1] =	stream.indirect.gather [hbm4b:s3+s5], $0x40, s0, s5, $0xb8;
	[tilespmem:$0x16800] =	vst v63  }
0x56: {  	_ =	swait.ge [sflag:s14], $0x5000  }
0x57: {  	[sflag:s14] =	ssyncset.done $0x0  }
0x58: {  	s0 =	rddreg [dreg:$0x5];
	[sflag:s14] =	ssyncadd.s32 $0xFFFFB000  }
0x59: {  	[hbm4b:s0+s2] =	stream.linear.scatter [tilespmem:s4], [sflag:$0x7], $0x5000, $0x38;
	[tilespmem:$0x16800] =	vst v63  }
0x5a: {  	_ =	swait.ge [sflag:s9], $0x5000  }
0x5b: {  	s0 =	sld [smem:$0x7EF]  }
0x5c: {  	[sflag:s9] =	ssyncset.done $0x0  }
0x5d: {  	[sflag:s9] =	ssyncadd.s32 $0xFFFFB000  }
0x5e: {  	[tilespmem:s7], [sflag:$0x2] =	stream.indirect.gather [hbm4b:s3+s5], $0x40, s0, s5, $0xb8;
	[tilespmem:$0x16800] =	vst v63  }
0x5f: {  	_ =	swait.ge [sflag:s15], $0x5000  }
0x60: {  	[sflag:s15] =	ssyncset.done $0x0  }
0x61: {  	s0 =	rddreg [dreg:$0x6];
	[sflag:s15] =	ssyncadd.s32 $0xFFFFB000  }
0x62: {  	[hbm4b:s0+s2] =	stream.linear.scatter [tilespmem:s6], [sflag:$0x8], $0x5000, $0x38;
	[tilespmem:$0x16800] =	vst v63  }
0x63: {  	_ =	swait.ge [sflag:s11], $0x5000  }
0x64: {  	s0 =	sld [smem:$0x7F0]  }
0x65: {  	[sflag:s11] =	ssyncset.done $0x0  }
0x66: {  	[sflag:s11] =	ssyncadd.s32 $0xFFFFB000  }
0x67: {  	[tilespmem:s4], [sflag:$0x3] =	stream.indirect.gather [hbm4b:s3+s5], $0x40, s0, s5, $0xb8;
	[tilespmem:$0x16800] =	vst v63  }
0x68: {  	_ =	swait.ge [sflag:s16], $0x5000  }
0x69: {  	[sflag:s16] =	ssyncset.done $0x0  }
0x6a: {  	s0 =	rddreg [dreg:$0x7];
	[sflag:s16] =	ssyncadd.s32 $0xFFFFB000  }
0x6b: {  	[hbm4b:s0+s2] =	stream.linear.scatter [tilespmem:s10], [sflag:$0x5], $0x5000, $0x38;
	[tilespmem:$0x16800] =	vst v63  }
0x6c: {  	_ =	swait.ge [sflag:s12], $0x5000  }
0x6d: {  	s0 =	sld [smem:$0x7F1]  }
0x6e: {  	[sflag:s12] =	ssyncset.done $0x0  }
0x6f: {  	[sflag:s12] =	ssyncadd.s32 $0xFFFFB000  }
0x70: {  	[tilespmem:s6], [sflag:$0x4] =	stream.indirect.gather [hbm4b:s3+s5], $0x40, s0, s5, $0xb8;
	[tilespmem:$0x16800] =	vst v63  }
0x71: {  	_ =	swait.ge [sflag:s13], $0x5000  }
0x72: {  	[sflag:s13] =	ssyncset.done $0x0  }
0x73: {  	s0 =	rddreg [dreg:$0x8];
	[sflag:s13] =	ssyncadd.s32 $0xFFFFB000  }
0x74: {  	[hbm4b:s0+s2] =	stream.linear.scatter [tilespmem:s7], [sflag:$0x6], $0x5000, $0x38;
	[tilespmem:$0x16800] =	vst v63  }
0x75: {  	_ =	swait.ge [sflag:s8], $0x5000  }
0x76: {  	s0 =	sld [smem:$0x7F2]  }
0x77: {  	[sflag:s8] =	ssyncset.done $0x0  }
0x78: {  	[sflag:s8] =	ssyncadd.s32 $0xFFFFB000  }
0x79: {  	[tilespmem:s10], [sflag:$0x1] =	stream.indirect.gather [hbm4b:s3+s5], $0x40, s0, s5, $0xb8;
	[tilespmem:$0x16800] =	vst v63  }
0x7a: {  	_ =	swait.ge [sflag:s14], $0x5000  }
0x7b: {  	[sflag:s14] =	ssyncset.done $0x0  }
0x7c: {  	s0 =	rddreg [dreg:$0x9];
	[sflag:s14] =	ssyncadd.s32 $0xFFFFB000  }
0x7d: {  	[hbm4b:s0+s2] =	stream.linear.scatter [tilespmem:s4], [sflag:$0x7], $0x5000, $0x38;
	[tilespmem:$0x16800] =	vst v63  }
0x7e: {  	_ =	swait.ge [sflag:s9], $0x5000  }
0x7f: {  	s0 =	sld [smem:$0x7F3]  }
0x80: {  	[sflag:s9] =	ssyncset.done $0x0  }
0x81: {  	[sflag:s9] =	ssyncadd.s32 $0xFFFFB000  }
0x82: {  	[tilespmem:s7], [sflag:$0x2] =	stream.indirect.gather [hbm4b:s3+s5], $0x40, s0, s5, $0xb8;
	[tilespmem:$0x16800] =	vst v63  }
0x83: {  	_ =	swait.ge [sflag:s15], $0x5000  }
0x84: {  	[sflag:s15] =	ssyncset.done $0x0  }
0x85: {  	s0 =	rddreg [dreg:$0xa];
	[sflag:s15] =	ssyncadd.s32 $0xFFFFB000  }
0x86: {  	[hbm4b:s0+s2] =	stream.linear.scatter [tilespmem:s6], [sflag:$0x8], $0x5000, $0x38;
	[tilespmem:$0x16800] =	vst v63  }
0x87: {  	_ =	swait.ge [sflag:s11], $0x5000  }
0x88: {  	s0 =	sld [smem:$0x7F4]  }
0x89: {  	[sflag:s11] =	ssyncset.done $0x0  }
0x8a: {  	[sflag:s11] =	ssyncadd.s32 $0xFFFFB000  }
0x8b: {  	[tilespmem:s4], [sflag:$0x3] =	stream.indirect.gather [hbm4b:s3+s5], $0x40, s0, s5, $0xb8;
	[tilespmem:$0x16800] =	vst v63  }
0x8c: {  	_ =	swait.ge [sflag:s16], $0x5000  }
0x8d: {  	[sflag:s16] =	ssyncset.done $0x0  }
0x8e: {  	s0 =	rddreg [dreg:$0xb];
	[sflag:s16] =	ssyncadd.s32 $0xFFFFB000  }
0x8f: {  	[hbm4b:s0+s2] =	stream.linear.scatter [tilespmem:s10], [sflag:$0x5], $0x5000, $0x38;
	[tilespmem:$0x16800] =	vst v63  }
0x90: {  	_ =	swait.ge [sflag:s12], $0x5000  }
0x91: {  	s0 =	sld [smem:$0x7F5]  }
0x92: {  	[sflag:s12] =	ssyncset.done $0x0  }
0x93: {  	[sflag:s12] =	ssyncadd.s32 $0xFFFFB000  }
0x94: {  	[tilespmem:s6], [sflag:$0x4] =	stream.indirect.gather [hbm4b:s3+s5], $0x40, s0, s5, $0xb8;
	[tilespmem:$0x16800] =	vst v63  }
0x95: {  	_ =	swait.ge [sflag:s13], $0x5000  }
0x96: {  	[sflag:s13] =	ssyncset.done $0x0  }
0x97: {  	s0 =	rddreg [dreg:$0xc];
	[sflag:s13] =	ssyncadd.s32 $0xFFFFB000  }
0x98: {  	[hbm4b:s0+s2] =	stream.linear.scatter [tilespmem:s7], [sflag:$0x6], $0x5000, $0x38;
	[tilespmem:$0x16800] =	vst v63  }
0x99: {  	_ =	swait.ge [sflag:s8], $0x5000  }
0x9a: {  	s0 =	sld [smem:$0x7F6]  }
0x9b: {  	[sflag:s8] =	ssyncset.done $0x0  }
0x9c: {  	[sflag:s8] =	ssyncadd.s32 $0xFFFFB000  }
0x9d: {  	[tilespmem:s10], [sflag:$0x1] =	stream.indirect.gather [hbm4b:s3+s5], $0x40, s0, s5, $0xb8;
	[tilespmem:$0x16800] =	vst v63  }
0x9e: {  	_ =	swait.ge [sflag:s14], $0x5000  }
0x9f: {  	[sflag:s14] =	ssyncset.done $0x0  }
0xa0: {  	s0 =	rddreg [dreg:$0xd];
	[sflag:s14] =	ssyncadd.s32 $0xFFFFB000  }
0xa1: {  	[hbm4b:s0+s2] =	stream.linear.scatter [tilespmem:s4], [sflag:$0x7], $0x5000, $0x38;
	[tilespmem:$0x16800] =	vst v63  }
0xa2: {  	_ =	swait.ge [sflag:s9], $0x5000  }
0xa3: {  	s0 =	sld [smem:$0x7F7]  }
0xa4: {  	[sflag:s9] =	ssyncset.done $0x0  }
0xa5: {  	[sflag:s9] =	ssyncadd.s32 $0xFFFFB000  }
0xa6: {  	[tilespmem:s7], [sflag:$0x2] =	stream.indirect.gather [hbm4b:s3+s5], $0x40, s0, s5, $0xb8;
	[tilespmem:$0x16800] =	vst v63  }
0xa7: {  	_ =	swait.ge [sflag:s15], $0x5000  }
0xa8: {  	[sflag:s15] =	ssyncset.done $0x0  }
0xa9: {  	s0 =	rddreg [dreg:$0xe];
	[sflag:s15] =	ssyncadd.s32 $0xFFFFB000  }
0xaa: {  	[hbm4b:s0+s2] =	stream.linear.scatter [tilespmem:s6], [sflag:$0x8], $0x5000, $0x38;
	[tilespmem:$0x16800] =	vst v63  }
0xab: {  	_ =	swait.ge [sflag:s11], $0x5000  }
0xac: {  	s0 =	sld [smem:$0x7F8]  }
0xad: {  	[sflag:s11] =	ssyncset.done $0x0  }
0xae: {  	[sflag:s11] =	ssyncadd.s32 $0xFFFFB000  }
0xaf: {  	[tilespmem:s4], [sflag:$0x3] =	stream.indirect.gather [hbm4b:s3+s5], $0x40, s0, s5, $0xb8;
	[tilespmem:$0x16800] =	vst v63  }
0xb0: {  	_ =	swait.ge [sflag:s16], $0x5000  }
0xb1: {  	[sflag:s16] =	ssyncset.done $0x0  }
0xb2: {  	s0 =	rddreg [dreg:$0xf];
	[sflag:s16] =	ssyncadd.s32 $0xFFFFB000  }
0xb3: {  	[hbm4b:s0+s2] =	stream.linear.scatter [tilespmem:s10], [sflag:$0x5], $0x5000, $0x38;
	[tilespmem:$0x16800] =	vst v63  }
0xb4: {  	_ =	swait.ge [sflag:s12], $0x5000  }
0xb5: {  	s0 =	sld [smem:$0x7F9]  }
0xb6: {  	[sflag:s12] =	ssyncset.done $0x0  }
0xb7: {  	[sflag:s12] =	ssyncadd.s32 $0xFFFFB000  }
0xb8: {  	[tilespmem:s6], [sflag:$0x4] =	stream.indirect.gather [hbm4b:s3+s5], $0x40, s0, s5, $0xb8;
	[tilespmem:$0x16800] =	vst v63  }
0xb9: {  	_ =	swait.ge [sflag:s13], $0x5000  }
0xba: {  	[sflag:s13] =	ssyncset.done $0x0  }
0xbb: {  	s0 =	rddreg [dreg:$0x10];
	[sflag:s13] =	ssyncadd.s32 $0xFFFFB000  }
0xbc: {  	[hbm4b:s0+s2] =	stream.linear.scatter [tilespmem:s7], [sflag:$0x6], $0x5000, $0x38;
	[tilespmem:$0x16800] =	vst v63  }
0xbd: {  	_ =	swait.ge [sflag:s8], $0x5000  }
0xbe: {  	s0 =	sld [smem:$0x7FA]  }
0xbf: {  	[sflag:s8] =	ssyncset.done $0x0  }
0xc0: {  	[sflag:s8] =	ssyncadd.s32 $0xFFFFB000  }
0xc1: {  	[tilespmem:s10], [sflag:$0x1] =	stream.indirect.gather [hbm4b:s3+s5], $0x40, s0, s5, $0xb8;
	[tilespmem:$0x16800] =	vst v63  }
0xc2: {  	_ =	swait.ge [sflag:s14], $0x5000  }
0xc3: {  	[sflag:s14] =	ssyncset.done $0x0  }
0xc4: {  	s0 =	rddreg [dreg:$0x11];
	[sflag:s14] =	ssyncadd.s32 $0xFFFFB000  }
0xc5: {  	[hbm4b:s0+s2] =	stream.linear.scatter [tilespmem:s4], [sflag:$0x7], $0x5000, $0x38;
	[tilespmem:$0x16800] =	vst v63  }
0xc6: {  	_ =	swait.ge [sflag:s9], $0x5000  }
0xc7: {  	s0 =	sld [smem:$0x7FB]  }
0xc8: {  	[sflag:s9] =	ssyncset.done $0x0  }
0xc9: {  	[sflag:s9] =	ssyncadd.s32 $0xFFFFB000  }
0xca: {  	[tilespmem:s7], [sflag:$0x2] =	stream.indirect.gather [hbm4b:s3+s5], $0x40, s0, s5, $0xb8;
	[tilespmem:$0x16800] =	vst v63  }
0xcb: {  	_ =	swait.ge [sflag:s15], $0x5000  }
0xcc: {  	[sflag:s15] =	ssyncset.done $0x0  }
0xcd: {  	s0 =	rddreg [dreg:$0x12];
	[sflag:s15] =	ssyncadd.s32 $0xFFFFB000  }
0xce: {  	[hbm4b:s0+s2] =	stream.linear.scatter [tilespmem:s6], [sflag:$0x8], $0x5000, $0x38;
	[tilespmem:$0x16800] =	vst v63  }
0xcf: {  	_ =	swait.ge [sflag:s11], $0x5000  }
0xd0: {  	s0 =	sld [smem:$0x7FC]  }
0xd1: {  	[sflag:s11] =	ssyncset.done $0x0  }
0xd2: {  	[sflag:s11] =	ssyncadd.s32 $0xFFFFB000  }
0xd3: {  	[tilespmem:s4], [sflag:$0x3] =	stream.indirect.gather [hbm4b:s3+s5], $0x40, s0, s5, $0xb8;
	[tilespmem:$0x16800] =	vst v63  }
0xd4: {  	_ =	swait.ge [sflag:s16], $0x5000  }
0xd5: {  	[sflag:s16] =	ssyncset.done $0x0  }
0xd6: {  	s0 =	rddreg [dreg:$0x13];
	[sflag:s16] =	ssyncadd.s32 $0xFFFFB000  }
0xd7: {  	[hbm4b:s0+s2] =	stream.linear.scatter [tilespmem:s10], [sflag:$0x5], $0x5000, $0x38;
	[tilespmem:$0x16800] =	vst v63  }
0xd8: {  	_ =	swait.ge [sflag:s12], $0x5000  }
0xd9: {  	s0 =	sld [smem:$0x7FD]  }
0xda: {  	[sflag:s12] =	ssyncset.done $0x0  }
0xdb: {  	[sflag:s12] =	ssyncadd.s32 $0xFFFFB000  }
0xdc: {  	[tilespmem:s6], [sflag:$0x4] =	stream.indirect.gather [hbm4b:s3+s5], $0x40, s0, s5, $0xb8;
	[tilespmem:$0x16800] =	vst v63  }
0xdd: {  	_ =	swait.ge [sflag:s13], $0x5000  }
0xde: {  	[sflag:s13] =	ssyncset.done $0x0  }
0xdf: {  	s0 =	rddreg [dreg:$0x14];
	[sflag:s13] =	ssyncadd.s32 $0xFFFFB000  }
0xe0: {  	[hbm4b:s0+s2] =	stream.linear.scatter [tilespmem:s7], [sflag:$0x6], $0x5000, $0x38;
	[tilespmem:$0x16800] =	vst v63  }
0xe1: {  	_ =	swait.ge [sflag:s8], $0x5000  }
0xe2: {  	[sflag:s8] =	ssyncset.done $0x0  }
0xe3: {  	[sflag:s8] =	ssyncadd.s32 $0xFFFFB000  }
0xe4: {  	[tilespmem:s10], [sflag:$0x1] =	stream.indirect.gather [hbm4b:s3+s5], $0x40, s29, s5, $0xb8;
	[tilespmem:$0x16800] =	vst v63  }
0xe5: {  	_ =	swait.ge [sflag:s14], $0x5000  }
0xe6: {  	[sflag:s14] =	ssyncset.done $0x0  }
0xe7: {  	s0 =	rddreg [dreg:$0x15];
	[sflag:s14] =	ssyncadd.s32 $0xFFFFB000  }
0xe8: {  	[hbm4b:s0+s2] =	stream.linear.scatter [tilespmem:s4], [sflag:$0x7], $0x5000, $0x38;
	[tilespmem:$0x16800] =	vst v63  }
0xe9: {  	_ =	swait.ge [sflag:s9], $0x5000  }
0xea: {  	[sflag:s9] =	ssyncset.done $0x0  }
0xeb: {  	[sflag:s9] =	ssyncadd.s32 $0xFFFFB000  }
0xec: {  	[tilespmem:s7], [sflag:$0x2] =	stream.indirect.gather [hbm4b:s3+s5], $0x40, s28, s5, $0xb8;
	[tilespmem:$0x16800] =	vst v63  }
0xed: {  	_ =	swait.ge [sflag:s15], $0x5000  }
0xee: {  	[sflag:s15] =	ssyncset.done $0x0  }
0xef: {  	s0 =	rddreg [dreg:$0x16];
	[sflag:s15] =	ssyncadd.s32 $0xFFFFB000  }
0xf0: {  	[hbm4b:s0+s2] =	stream.linear.scatter [tilespmem:s6], [sflag:$0x8], $0x5000, $0x38;
	[tilespmem:$0x16800] =	vst v63  }
0xf1: {  	_ =	swait.ge [sflag:s11], $0x5000  }
0xf2: {  	[sflag:s11] =	ssyncset.done $0x0  }
0xf3: {  	[sflag:s11] =	ssyncadd.s32 $0xFFFFB000  }
0xf4: {  	[tilespmem:s4], [sflag:$0x3] =	stream.indirect.gather [hbm4b:s3+s5], $0x40, s26, s5, $0xb8;
	[tilespmem:$0x16800] =	vst v63  }
0xf5: {  	_ =	swait.ge [sflag:s16], $0x5000  }
0xf6: {  	[sflag:s16] =	ssyncset.done $0x0  }
0xf7: {  	s0 =	rddreg [dreg:$0x17];
	[sflag:s16] =	ssyncadd.s32 $0xFFFFB000  }
0xf8: {  	[hbm4b:s0+s2] =	stream.linear.scatter [tilespmem:s10], [sflag:$0x5], $0x5000, $0x38;
	[tilespmem:$0x16800] =	vst v63  }
0xf9: {  	_ =	swait.ge [sflag:s12], $0x5000  }
0xfa: {  	[sflag:s12] =	ssyncset.done $0x0  }
0xfb: {  	[sflag:s12] =	ssyncadd.s32 $0xFFFFB000  }
0xfc: {  	[tilespmem:s6], [sflag:$0x4] =	stream.indirect.gather [hbm4b:s3+s5], $0x40, s25, s5, $0xb8;
	[tilespmem:$0x16800] =	vst v63  }
0xfd: {  	_ =	swait.ge [sflag:s13], $0x5000  }
0xfe: {  	[sflag:s13] =	ssyncset.done $0x0  }
0xff: {  	s0 =	rddreg [dreg:$0x18];
	[sflag:s13] =	ssyncadd.s32 $0xFFFFB000  }
0x100: {  	[hbm4b:s0+s2] =	stream.linear.scatter [tilespmem:s7], [sflag:$0x6], $0x5000, $0x38;
	[tilespmem:$0x16800] =	vst v63  }
0x101: {  	_ =	swait.ge [sflag:s8], $0x5000  }
0x102: {  	[sflag:s8] =	ssyncset.done $0x0  }
0x103: {  	[sflag:s8] =	ssyncadd.s32 $0xFFFFB000  }
0x104: {  	[tilespmem:s10], [sflag:$0x1] =	stream.indirect.gather [hbm4b:s3+s5], $0x40, s24, s5, $0xb8;
	[tilespmem:$0x16800] =	vst v63  }
0x105: {  	_ =	swait.ge [sflag:s14], $0x5000  }
0x106: {  	[sflag:s14] =	ssyncset.done $0x0  }
0x107: {  	s0 =	rddreg [dreg:$0x19];
	[sflag:s14] =	ssyncadd.s32 $0xFFFFB000  }
0x108: {  	[hbm4b:s0+s2] =	stream.linear.scatter [tilespmem:s4], [sflag:$0x7], $0x5000, $0x38;
	[tilespmem:$0x16800] =	vst v63  }
0x109: {  	_ =	swait.ge [sflag:s9], $0x5000  }
0x10a: {  	[sflag:s9] =	ssyncset.done $0x0  }
0x10b: {  	[sflag:s9] =	ssyncadd.s32 $0xFFFFB000  }
0x10c: {  	[tilespmem:s7], [sflag:$0x2] =	stream.indirect.gather [hbm4b:s3+s5], $0x40, s23, s5, $0xb8;
	[tilespmem:$0x16800] =	vst v63  }
0x10d: {  	_ =	swait.ge [sflag:s15], $0x5000  }
0x10e: {  	[sflag:s15] =	ssyncset.done $0x0  }
0x10f: {  	s0 =	rddreg [dreg:$0x1a];
	[sflag:s15] =	ssyncadd.s32 $0xFFFFB000  }
0x110: {  	[hbm4b:s0+s2] =	stream.linear.scatter [tilespmem:s6], [sflag:$0x8], $0x5000, $0x38;
	[tilespmem:$0x16800] =	vst v63  }
0x111: {  	_ =	swait.ge [sflag:s11], $0x5000  }
0x112: {  	[sflag:s11] =	ssyncset.done $0x0  }
0x113: {  	[sflag:s11] =	ssyncadd.s32 $0xFFFFB000  }
0x114: {  	[tilespmem:s4], [sflag:$0x3] =	stream.indirect.gather [hbm4b:s3+s5], $0x40, s22, s5, $0xb8;
	[tilespmem:$0x16800] =	vst v63  }
0x115: {  	_ =	swait.ge [sflag:s16], $0x5000  }
0x116: {  	[sflag:s16] =	ssyncset.done $0x0  }
0x117: {  	s0 =	rddreg [dreg:$0x1b];
	[sflag:s16] =	ssyncadd.s32 $0xFFFFB000  }
0x118: {  	[hbm4b:s0+s2] =	stream.linear.scatter [tilespmem:s10], [sflag:$0x5], $0x5000, $0x38;
	[tilespmem:$0x16800] =	vst v63  }
0x119: {  	_ =	swait.ge [sflag:s12], $0x5000  }
0x11a: {  	[sflag:s12] =	ssyncset.done $0x0  }
0x11b: {  	[sflag:s12] =	ssyncadd.s32 $0xFFFFB000  }
0x11c: {  	[tilespmem:s6], [sflag:$0x4] =	stream.indirect.gather [hbm4b:s3+s5], $0x40, s21, s5, $0xb8;
	[tilespmem:$0x16800] =	vst v63  }
0x11d: {  	_ =	swait.ge [sflag:s13], $0x5000  }
0x11e: {  	[sflag:s13] =	ssyncset.done $0x0  }
0x11f: {  	s0 =	rddreg [dreg:$0x1c];
	[sflag:s13] =	ssyncadd.s32 $0xFFFFB000  }
0x120: {  	[hbm4b:s0+s2] =	stream.linear.scatter [tilespmem:s7], [sflag:$0x6], $0x5000, $0x38;
	[tilespmem:$0x16800] =	vst v63  }
0x121: {  	_ =	swait.ge [sflag:s8], $0x5000  }
0x122: {  	[sflag:s8] =	ssyncset.done $0x0  }
0x123: {  	[sflag:s8] =	ssyncadd.s32 $0xFFFFB000  }
0x124: {  	[tilespmem:s10], [sflag:$0x1] =	stream.indirect.gather [hbm4b:s3+s5], $0x40, s20, s5, $0xb8;
	[tilespmem:$0x16800] =	vst v63  }
0x125: {  	_ =	swait.ge [sflag:s14], $0x5000  }
0x126: {  	[sflag:s14] =	ssyncset.done $0x0  }
0x127: {  	s0 =	rddreg [dreg:$0x1d];
	[sflag:s14] =	ssyncadd.s32 $0xFFFFB000  }
0x128: {  	[hbm4b:s0+s2] =	stream.linear.scatter [tilespmem:s4], [sflag:$0x7], $0x5000, $0x38;
	[tilespmem:$0x16800] =	vst v63  }
0x129: {  	_ =	swait.ge [sflag:s9], $0x5000  }
0x12a: {  	[sflag:s9] =	ssyncset.done $0x0  }
0x12b: {  	[sflag:s9] =	ssyncadd.s32 $0xFFFFB000  }
0x12c: {  	[tilespmem:s7], [sflag:$0x2] =	stream.indirect.gather [hbm4b:s3+s5], $0x40, s19, s5, $0xb8;
	[tilespmem:$0x16800] =	vst v63  }
0x12d: {  	_ =	swait.ge [sflag:s15], $0x5000  }
0x12e: {  	[sflag:s15] =	ssyncset.done $0x0  }
0x12f: {  	s0 =	rddreg [dreg:$0x1e];
	[sflag:s15] =	ssyncadd.s32 $0xFFFFB000  }
0x130: {  	[hbm4b:s0+s2] =	stream.linear.scatter [tilespmem:s6], [sflag:$0x8], $0x5000, $0x38;
	[tilespmem:$0x16800] =	vst v63  }
0x131: {  	_ =	swait.ge [sflag:s11], $0x5000  }
0x132: {  	[sflag:s11] =	ssyncset.done $0x0  }
0x133: {  	[sflag:s11] =	ssyncadd.s32 $0xFFFFB000  }
0x134: {  	[tilespmem:s4], [sflag:$0x3] =	stream.indirect.gather [hbm4b:s3+s5], $0x40, s18, s5, $0xb8;
	[tilespmem:$0x16800] =	vst v63  }
0x135: {  	_ =	swait.ge [sflag:s16], $0x5000  }
0x136: {  	[sflag:s16] =	ssyncset.done $0x0  }
0x137: {  	s0 =	rddreg [dreg:$0x1f];
	[sflag:s16] =	ssyncadd.s32 $0xFFFFB000  }
0x138: {  	[hbm4b:s0+s2] =	stream.linear.scatter [tilespmem:s10], [sflag:$0x5], $0x5000, $0x38;
	[tilespmem:$0x16800] =	vst v63  }
0x139: {  	_ =	swait.ge [sflag:s12], $0x5000  }
0x13a: {  	[sflag:s12] =	ssyncset.done $0x0  }
0x13b: {  	[sflag:s12] =	ssyncadd.s32 $0xFFFFB000  }
0x13c: {  	[tilespmem:s6], [sflag:$0x4] =	stream.indirect.gather [hbm4b:s3+s5], $0x40, s17, s5, $0xb8;
	[tilespmem:$0x16800] =	vst v63  }
0x13d: {  	_ =	swait.ge [sflag:s13], $0x5000  }
0x13e: {  	s0 =	sld [smem:$0x7E9]  }
0x13f: {  	[sflag:s13] =	ssyncset.done $0x0  }
0x140: {  	[sflag:s13] =	ssyncadd.s32 $0xFFFFB000  }
0x141: {  	[hbm4b:s0+s2] =	stream.linear.scatter [tilespmem:s7], [sflag:$0x6], $0x5000, $0x38;
	[tilespmem:$0x16800] =	vst v63  }
0x142: {  	_ =	swait.ge [sflag:s14], $0x5000  }
0x143: {  	s0 =	sld [smem:$0x7EA]  }
0x144: {  	[sflag:s14] =	ssyncset.done $0x0  }
0x145: {  	[sflag:s14] =	ssyncadd.s32 $0xFFFFB000  }
0x146: {  	[hbm4b:s0+s2] =	stream.linear.scatter [tilespmem:s4], [sflag:$0x7], $0x5000, $0x38;
	[tilespmem:$0x16800] =	vst v63  }
0x147: {  	_ =	swait.ge [sflag:s15], $0x5000  }
0x148: {  	s0 =	sld [smem:$0x7EB]  }
0x149: {  	[sflag:s15] =	ssyncset.done $0x0  }
0x14a: {  	[sflag:s15] =	ssyncadd.s32 $0xFFFFB000  }
0x14b: {  	[hbm4b:s0+s2] =	stream.linear.scatter [tilespmem:s6], [sflag:$0x8], $0x5000, $0x38;
	[tilespmem:$0x16800] =	vst v63  }
0x14c: {  	_ =	swait.ge [sflag:s8], $0x5000  }
0x14d: {  	[sflag:s8] =	ssyncset.done $0x0  }
0x14e: {  	[sflag:s8] =	ssyncadd.s32 $0xFFFFB000  }
0x14f: {  	_ =	swait.ge [sflag:s9], $0x5000  }
0x150: {  	[sflag:s9] =	ssyncset.done $0x0  }
0x151: {  	p1 =	sne.s32 s1, $0x1;
	[sflag:s9] =	ssyncadd.s32 $0xFFFFB000  }
.Ltmp1:
0x152: {  	_ =	swait.ge [sflag:s11], $0x5000;
	(pc) =	sbr.rel @!p1 .LBB2_3-.Ltmp1, $4  }
0x153: {  	[sflag:s11] =	ssyncset.done $0x0  }
0x154: {  	[sflag:s11] =	ssyncadd.s32 $0xFFFFB000  }
0x155: {  	s1 =	sadd.s32 $0xFFFFFFFF, s1;
	_ =	swait.ge [sflag:s12], $0x5000  }
0x156: {  	p0 =	por $0x1, $0x1;
	s0 =	rddreg [dreg:$0x3];
	[sflag:s12] =	ssyncset.done $0x0  }
.LBB2_2:
0x157: {  	[sflag:s12] =	ssyncadd.s32 $0xFFFFB000  }
0x158: {  	[tilespmem:s2], [sflag:$0x9] =	stream.linear.gather [hbm4b:s0+s2], $0x2800, $0x38;
	[tilespmem:$0x16800] =	vst v63  }
0x159: {  	_ =	swait.ge [sflag:s31], $0x2800  }
0x15a: {  	[sflag:s31] =	ssyncset.done $0x0  }
0x15b: {  	[sflag:s31] =	ssyncadd.s32 $0xFFFFD800  }
0x15c: {  	[tilespmem:s10], [sflag:$0x1] =	stream.indirect.gather [hbm4b:s3+s5], $0x40, s2, s5, $0xb8;
	[tilespmem:$0x16800] =	vst v63  }
0x15d: {  	s0 =	sld [smem:$0x7EC]  }
0x15e: {  	[tilespmem:s7], [sflag:$0x2] =	stream.indirect.gather [hbm4b:s3+s5], $0x40, s5, s5, $0xb8;
	[tilespmem:$0x16800] =	vst v63  }
0x15f: {  	_ = 	snop  }
0x160: {  	[tilespmem:s4], [sflag:$0x3] =	stream.indirect.gather [hbm4b:s3+s5], $0x40, s0, s5, $0xb8;
	[tilespmem:$0x16800] =	vst v63  }
0x161: {  	_ =	swait.ge [sflag:s16], $0x5000  }
0x162: {  	[sflag:s16] =	ssyncset.done $0x0  }
0x163: {  	s0 =	sld [smem:$0x7ED];
	[sflag:s16] =	ssyncadd.s32 $0xFFFFB000  }
0x164: {  	[hbm4b:s30+s2] =	stream.linear.scatter [tilespmem:s10], [sflag:$0x5], $0x5000, $0x38;
	[tilespmem:$0x16800] =	vst v63  }
0x165: {  	_ = 	snop  }
0x166: {  	[tilespmem:s6], [sflag:$0x4] =	stream.indirect.gather [hbm4b:s3+s5], $0x40, s0, s5, $0xb8;
	[tilespmem:$0x16800] =	vst v63  }
0x167: {  	_ =	swait.ge [sflag:s13], $0x5000  }
0x168: {  	[sflag:s13] =	ssyncset.done $0x0  }
0x169: {  	s0 =	rddreg [dreg:$0x4];
	[sflag:s13] =	ssyncadd.s32 $0xFFFFB000  }
0x16a: {  	[hbm4b:s0+s2] =	stream.linear.scatter [tilespmem:s7], [sflag:$0x6], $0x5000, $0x38;
	[tilespmem:$0x16800] =	vst v63  }
0x16b: {  	_ =	swait.ge [sflag:s8], $0x5000  }
0x16c: {  	s0 =	sld [smem:$0x7EE]  }
0x16d: {  	[sflag:s8] =	ssyncset.done $0x0  }
0x16e: {  	[sflag:s8] =	ssyncadd.s32 $0xFFFFB000  }
0x16f: {  	[tilespmem:s10], [sflag:$0x1] =	stream.indirect.gather [hbm4b:s3+s5], $0x40, s0, s5, $0xb8;
	[tilespmem:$0x16800] =	vst v63  }
0x170: {  	_ =	swait.ge [sflag:s14], $0x5000  }
0x171: {  	[sflag:s14] =	ssyncset.done $0x0  }
0x172: {  	s0 =	rddreg [dreg:$0x5];
	[sflag:s14] =	ssyncadd.s32 $0xFFFFB000  }
0x173: {  	[hbm4b:s0+s2] =	stream.linear.scatter [tilespmem:s4], [sflag:$0x7], $0x5000, $0x38;
	[tilespmem:$0x16800] =	vst v63  }
0x174: {  	_ =	swait.ge [sflag:s9], $0x5000  }
0x175: {  	s0 =	sld [smem:$0x7EF]  }
0x176: {  	[sflag:s9] =	ssyncset.done $0x0  }
0x177: {  	[sflag:s9] =	ssyncadd.s32 $0xFFFFB000  }
0x178: {  	[tilespmem:s7], [sflag:$0x2] =	stream.indirect.gather [hbm4b:s3+s5], $0x40, s0, s5, $0xb8;
	[tilespmem:$0x16800] =	vst v63  }
0x179: {  	_ =	swait.ge [sflag:s15], $0x5000  }
0x17a: {  	[sflag:s15] =	ssyncset.done $0x0  }
0x17b: {  	s0 =	rddreg [dreg:$0x6];
	[sflag:s15] =	ssyncadd.s32 $0xFFFFB000  }
0x17c: {  	[hbm4b:s0+s2] =	stream.linear.scatter [tilespmem:s6], [sflag:$0x8], $0x5000, $0x38;
	[tilespmem:$0x16800] =	vst v63  }
0x17d: {  	_ =	swait.ge [sflag:s11], $0x5000  }
0x17e: {  	s0 =	sld [smem:$0x7F0]  }
0x17f: {  	[sflag:s11] =	ssyncset.done $0x0  }
0x180: {  	[sflag:s11] =	ssyncadd.s32 $0xFFFFB000  }
0x181: {  	[tilespmem:s4], [sflag:$0x3] =	stream.indirect.gather [hbm4b:s3+s5], $0x40, s0, s5, $0xb8;
	[tilespmem:$0x16800] =	vst v63  }
0x182: {  	_ =	swait.ge [sflag:s16], $0x5000  }
0x183: {  	[sflag:s16] =	ssyncset.done $0x0  }
0x184: {  	s0 =	rddreg [dreg:$0x7];
	[sflag:s16] =	ssyncadd.s32 $0xFFFFB000  }
0x185: {  	[hbm4b:s0+s2] =	stream.linear.scatter [tilespmem:s10], [sflag:$0x5], $0x5000, $0x38;
	[tilespmem:$0x16800] =	vst v63  }
0x186: {  	_ =	swait.ge [sflag:s12], $0x5000  }
0x187: {  	s0 =	sld [smem:$0x7F1]  }
0x188: {  	[sflag:s12] =	ssyncset.done $0x0  }
0x189: {  	[sflag:s12] =	ssyncadd.s32 $0xFFFFB000  }
0x18a: {  	[tilespmem:s6], [sflag:$0x4] =	stream.indirect.gather [hbm4b:s3+s5], $0x40, s0, s5, $0xb8;
	[tilespmem:$0x16800] =	vst v63  }
0x18b: {  	_ =	swait.ge [sflag:s13], $0x5000  }
0x18c: {  	[sflag:s13] =	ssyncset.done $0x0  }
0x18d: {  	s0 =	rddreg [dreg:$0x8];
	[sflag:s13] =	ssyncadd.s32 $0xFFFFB000  }
0x18e: {  	[hbm4b:s0+s2] =	stream.linear.scatter [tilespmem:s7], [sflag:$0x6], $0x5000, $0x38;
	[tilespmem:$0x16800] =	vst v63  }
0x18f: {  	_ =	swait.ge [sflag:s8], $0x5000  }
0x190: {  	s0 =	sld [smem:$0x7F2]  }
0x191: {  	[sflag:s8] =	ssyncset.done $0x0  }
0x192: {  	[sflag:s8] =	ssyncadd.s32 $0xFFFFB000  }
0x193: {  	[tilespmem:s10], [sflag:$0x1] =	stream.indirect.gather [hbm4b:s3+s5], $0x40, s0, s5, $0xb8;
	[tilespmem:$0x16800] =	vst v63  }
0x194: {  	_ =	swait.ge [sflag:s14], $0x5000  }
0x195: {  	[sflag:s14] =	ssyncset.done $0x0  }
0x196: {  	s0 =	rddreg [dreg:$0x9];
	[sflag:s14] =	ssyncadd.s32 $0xFFFFB000  }
0x197: {  	[hbm4b:s0+s2] =	stream.linear.scatter [tilespmem:s4], [sflag:$0x7], $0x5000, $0x38;
	[tilespmem:$0x16800] =	vst v63  }
0x198: {  	_ =	swait.ge [sflag:s9], $0x5000  }
0x199: {  	s0 =	sld [smem:$0x7F3]  }
0x19a: {  	[sflag:s9] =	ssyncset.done $0x0  }
0x19b: {  	[sflag:s9] =	ssyncadd.s32 $0xFFFFB000  }
0x19c: {  	[tilespmem:s7], [sflag:$0x2] =	stream.indirect.gather [hbm4b:s3+s5], $0x40, s0, s5, $0xb8;
	[tilespmem:$0x16800] =	vst v63  }
0x19d: {  	_ =	swait.ge [sflag:s15], $0x5000  }
0x19e: {  	[sflag:s15] =	ssyncset.done $0x0  }
0x19f: {  	s0 =	rddreg [dreg:$0xa];
	[sflag:s15] =	ssyncadd.s32 $0xFFFFB000  }
0x1a0: {  	[hbm4b:s0+s2] =	stream.linear.scatter [tilespmem:s6], [sflag:$0x8], $0x5000, $0x38;
	[tilespmem:$0x16800] =	vst v63  }
0x1a1: {  	_ =	swait.ge [sflag:s11], $0x5000  }
0x1a2: {  	s0 =	sld [smem:$0x7F4]  }
0x1a3: {  	[sflag:s11] =	ssyncset.done $0x0  }
0x1a4: {  	[sflag:s11] =	ssyncadd.s32 $0xFFFFB000  }
0x1a5: {  	[tilespmem:s4], [sflag:$0x3] =	stream.indirect.gather [hbm4b:s3+s5], $0x40, s0, s5, $0xb8;
	[tilespmem:$0x16800] =	vst v63  }
0x1a6: {  	_ =	swait.ge [sflag:s16], $0x5000  }
0x1a7: {  	[sflag:s16] =	ssyncset.done $0x0  }
0x1a8: {  	s0 =	rddreg [dreg:$0xb];
	[sflag:s16] =	ssyncadd.s32 $0xFFFFB000  }
0x1a9: {  	[hbm4b:s0+s2] =	stream.linear.scatter [tilespmem:s10], [sflag:$0x5], $0x5000, $0x38;
	[tilespmem:$0x16800] =	vst v63  }
0x1aa: {  	_ =	swait.ge [sflag:s12], $0x5000  }
0x1ab: {  	s0 =	sld [smem:$0x7F5]  }
0x1ac: {  	[sflag:s12] =	ssyncset.done $0x0  }
0x1ad: {  	[sflag:s12] =	ssyncadd.s32 $0xFFFFB000  }
0x1ae: {  	[tilespmem:s6], [sflag:$0x4] =	stream.indirect.gather [hbm4b:s3+s5], $0x40, s0, s5, $0xb8;
	[tilespmem:$0x16800] =	vst v63  }
0x1af: {  	_ =	swait.ge [sflag:s13], $0x5000  }
0x1b0: {  	[sflag:s13] =	ssyncset.done $0x0  }
0x1b1: {  	s0 =	rddreg [dreg:$0xc];
	[sflag:s13] =	ssyncadd.s32 $0xFFFFB000  }
0x1b2: {  	[hbm4b:s0+s2] =	stream.linear.scatter [tilespmem:s7], [sflag:$0x6], $0x5000, $0x38;
	[tilespmem:$0x16800] =	vst v63  }
0x1b3: {  	_ =	swait.ge [sflag:s8], $0x5000  }
0x1b4: {  	s0 =	sld [smem:$0x7F6]  }
0x1b5: {  	[sflag:s8] =	ssyncset.done $0x0  }
0x1b6: {  	[sflag:s8] =	ssyncadd.s32 $0xFFFFB000  }
0x1b7: {  	[tilespmem:s10], [sflag:$0x1] =	stream.indirect.gather [hbm4b:s3+s5], $0x40, s0, s5, $0xb8;
	[tilespmem:$0x16800] =	vst v63  }
0x1b8: {  	_ =	swait.ge [sflag:s14], $0x5000  }
0x1b9: {  	[sflag:s14] =	ssyncset.done $0x0  }
0x1ba: {  	s0 =	rddreg [dreg:$0xd];
	[sflag:s14] =	ssyncadd.s32 $0xFFFFB000  }
0x1bb: {  	[hbm4b:s0+s2] =	stream.linear.scatter [tilespmem:s4], [sflag:$0x7], $0x5000, $0x38;
	[tilespmem:$0x16800] =	vst v63  }
0x1bc: {  	_ =	swait.ge [sflag:s9], $0x5000  }
0x1bd: {  	s0 =	sld [smem:$0x7F7]  }
0x1be: {  	[sflag:s9] =	ssyncset.done $0x0  }
0x1bf: {  	[sflag:s9] =	ssyncadd.s32 $0xFFFFB000  }
0x1c0: {  	[tilespmem:s7], [sflag:$0x2] =	stream.indirect.gather [hbm4b:s3+s5], $0x40, s0, s5, $0xb8;
	[tilespmem:$0x16800] =	vst v63  }
0x1c1: {  	_ =	swait.ge [sflag:s15], $0x5000  }
0x1c2: {  	[sflag:s15] =	ssyncset.done $0x0  }
0x1c3: {  	s0 =	rddreg [dreg:$0xe];
	[sflag:s15] =	ssyncadd.s32 $0xFFFFB000  }
0x1c4: {  	[hbm4b:s0+s2] =	stream.linear.scatter [tilespmem:s6], [sflag:$0x8], $0x5000, $0x38;
	[tilespmem:$0x16800] =	vst v63  }
0x1c5: {  	_ =	swait.ge [sflag:s11], $0x5000  }
0x1c6: {  	s0 =	sld [smem:$0x7F8]  }
0x1c7: {  	[sflag:s11] =	ssyncset.done $0x0  }
0x1c8: {  	[sflag:s11] =	ssyncadd.s32 $0xFFFFB000  }
0x1c9: {  	[tilespmem:s4], [sflag:$0x3] =	stream.indirect.gather [hbm4b:s3+s5], $0x40, s0, s5, $0xb8;
	[tilespmem:$0x16800] =	vst v63  }
0x1ca: {  	_ =	swait.ge [sflag:s16], $0x5000  }
0x1cb: {  	[sflag:s16] =	ssyncset.done $0x0  }
0x1cc: {  	s0 =	rddreg [dreg:$0xf];
	[sflag:s16] =	ssyncadd.s32 $0xFFFFB000  }
0x1cd: {  	[hbm4b:s0+s2] =	stream.linear.scatter [tilespmem:s10], [sflag:$0x5], $0x5000, $0x38;
	[tilespmem:$0x16800] =	vst v63  }
0x1ce: {  	_ =	swait.ge [sflag:s12], $0x5000  }
0x1cf: {  	s0 =	sld [smem:$0x7F9]  }
0x1d0: {  	[sflag:s12] =	ssyncset.done $0x0  }
0x1d1: {  	[sflag:s12] =	ssyncadd.s32 $0xFFFFB000  }
0x1d2: {  	[tilespmem:s6], [sflag:$0x4] =	stream.indirect.gather [hbm4b:s3+s5], $0x40, s0, s5, $0xb8;
	[tilespmem:$0x16800] =	vst v63  }
0x1d3: {  	_ =	swait.ge [sflag:s13], $0x5000  }
0x1d4: {  	[sflag:s13] =	ssyncset.done $0x0  }
0x1d5: {  	s0 =	rddreg [dreg:$0x10];
	[sflag:s13] =	ssyncadd.s32 $0xFFFFB000  }
0x1d6: {  	[hbm4b:s0+s2] =	stream.linear.scatter [tilespmem:s7], [sflag:$0x6], $0x5000, $0x38;
	[tilespmem:$0x16800] =	vst v63  }
0x1d7: {  	_ =	swait.ge [sflag:s8], $0x5000  }
0x1d8: {  	s0 =	sld [smem:$0x7FA]  }
0x1d9: {  	[sflag:s8] =	ssyncset.done $0x0  }
0x1da: {  	[sflag:s8] =	ssyncadd.s32 $0xFFFFB000  }
0x1db: {  	[tilespmem:s10], [sflag:$0x1] =	stream.indirect.gather [hbm4b:s3+s5], $0x40, s0, s5, $0xb8;
	[tilespmem:$0x16800] =	vst v63  }
0x1dc: {  	_ =	swait.ge [sflag:s14], $0x5000  }
0x1dd: {  	[sflag:s14] =	ssyncset.done $0x0  }
0x1de: {  	s0 =	rddreg [dreg:$0x11];
	[sflag:s14] =	ssyncadd.s32 $0xFFFFB000  }
0x1df: {  	[hbm4b:s0+s2] =	stream.linear.scatter [tilespmem:s4], [sflag:$0x7], $0x5000, $0x38;
	[tilespmem:$0x16800] =	vst v63  }
0x1e0: {  	_ =	swait.ge [sflag:s9], $0x5000  }
0x1e1: {  	s0 =	sld [smem:$0x7FB]  }
0x1e2: {  	[sflag:s9] =	ssyncset.done $0x0  }
0x1e3: {  	[sflag:s9] =	ssyncadd.s32 $0xFFFFB000  }
0x1e4: {  	[tilespmem:s7], [sflag:$0x2] =	stream.indirect.gather [hbm4b:s3+s5], $0x40, s0, s5, $0xb8;
	[tilespmem:$0x16800] =	vst v63  }
0x1e5: {  	_ =	swait.ge [sflag:s15], $0x5000  }
0x1e6: {  	[sflag:s15] =	ssyncset.done $0x0  }
0x1e7: {  	s0 =	rddreg [dreg:$0x12];
	[sflag:s15] =	ssyncadd.s32 $0xFFFFB000  }
0x1e8: {  	[hbm4b:s0+s2] =	stream.linear.scatter [tilespmem:s6], [sflag:$0x8], $0x5000, $0x38;
	[tilespmem:$0x16800] =	vst v63  }
0x1e9: {  	_ =	swait.ge [sflag:s11], $0x5000  }
0x1ea: {  	s0 =	sld [smem:$0x7FC]  }
0x1eb: {  	[sflag:s11] =	ssyncset.done $0x0  }
0x1ec: {  	[sflag:s11] =	ssyncadd.s32 $0xFFFFB000  }
0x1ed: {  	[tilespmem:s4], [sflag:$0x3] =	stream.indirect.gather [hbm4b:s3+s5], $0x40, s0, s5, $0xb8;
	[tilespmem:$0x16800] =	vst v63  }
0x1ee: {  	_ =	swait.ge [sflag:s16], $0x5000  }
0x1ef: {  	[sflag:s16] =	ssyncset.done $0x0  }
0x1f0: {  	s0 =	rddreg [dreg:$0x13];
	[sflag:s16] =	ssyncadd.s32 $0xFFFFB000  }
0x1f1: {  	[hbm4b:s0+s2] =	stream.linear.scatter [tilespmem:s10], [sflag:$0x5], $0x5000, $0x38;
	[tilespmem:$0x16800] =	vst v63  }
0x1f2: {  	_ =	swait.ge [sflag:s12], $0x5000  }
0x1f3: {  	s0 =	sld [smem:$0x7FD]  }
0x1f4: {  	[sflag:s12] =	ssyncset.done $0x0  }
0x1f5: {  	[sflag:s12] =	ssyncadd.s32 $0xFFFFB000  }
0x1f6: {  	[tilespmem:s6], [sflag:$0x4] =	stream.indirect.gather [hbm4b:s3+s5], $0x40, s0, s5, $0xb8;
	[tilespmem:$0x16800] =	vst v63  }
0x1f7: {  	_ =	swait.ge [sflag:s13], $0x5000  }
0x1f8: {  	[sflag:s13] =	ssyncset.done $0x0  }
0x1f9: {  	s0 =	rddreg [dreg:$0x14];
	[sflag:s13] =	ssyncadd.s32 $0xFFFFB000  }
0x1fa: {  	[hbm4b:s0+s2] =	stream.linear.scatter [tilespmem:s7], [sflag:$0x6], $0x5000, $0x38;
	[tilespmem:$0x16800] =	vst v63  }
0x1fb: {  	_ =	swait.ge [sflag:s8], $0x5000  }
0x1fc: {  	[sflag:s8] =	ssyncset.done $0x0  }
0x1fd: {  	[sflag:s8] =	ssyncadd.s32 $0xFFFFB000  }
0x1fe: {  	[tilespmem:s10], [sflag:$0x1] =	stream.indirect.gather [hbm4b:s3+s5], $0x40, s29, s5, $0xb8;
	[tilespmem:$0x16800] =	vst v63  }
0x1ff: {  	_ =	swait.ge [sflag:s14], $0x5000  }
0x200: {  	[sflag:s14] =	ssyncset.done $0x0  }
0x201: {  	s0 =	rddreg [dreg:$0x15];
	[sflag:s14] =	ssyncadd.s32 $0xFFFFB000  }
0x202: {  	[hbm4b:s0+s2] =	stream.linear.scatter [tilespmem:s4], [sflag:$0x7], $0x5000, $0x38;
	[tilespmem:$0x16800] =	vst v63  }
0x203: {  	_ =	swait.ge [sflag:s9], $0x5000  }
0x204: {  	[sflag:s9] =	ssyncset.done $0x0  }
0x205: {  	[sflag:s9] =	ssyncadd.s32 $0xFFFFB000  }
0x206: {  	[tilespmem:s7], [sflag:$0x2] =	stream.indirect.gather [hbm4b:s3+s5], $0x40, s28, s5, $0xb8;
	[tilespmem:$0x16800] =	vst v63  }
0x207: {  	_ =	swait.ge [sflag:s15], $0x5000  }
0x208: {  	[sflag:s15] =	ssyncset.done $0x0  }
0x209: {  	s0 =	rddreg [dreg:$0x16];
	[sflag:s15] =	ssyncadd.s32 $0xFFFFB000  }
0x20a: {  	[hbm4b:s0+s2] =	stream.linear.scatter [tilespmem:s6], [sflag:$0x8], $0x5000, $0x38;
	[tilespmem:$0x16800] =	vst v63  }
0x20b: {  	_ =	swait.ge [sflag:s11], $0x5000  }
0x20c: {  	[sflag:s11] =	ssyncset.done $0x0  }
0x20d: {  	[sflag:s11] =	ssyncadd.s32 $0xFFFFB000  }
0x20e: {  	[tilespmem:s4], [sflag:$0x3] =	stream.indirect.gather [hbm4b:s3+s5], $0x40, s26, s5, $0xb8;
	[tilespmem:$0x16800] =	vst v63  }
0x20f: {  	_ =	swait.ge [sflag:s16], $0x5000  }
0x210: {  	[sflag:s16] =	ssyncset.done $0x0  }
0x211: {  	s0 =	rddreg [dreg:$0x17];
	[sflag:s16] =	ssyncadd.s32 $0xFFFFB000  }
0x212: {  	[hbm4b:s0+s2] =	stream.linear.scatter [tilespmem:s10], [sflag:$0x5], $0x5000, $0x38;
	[tilespmem:$0x16800] =	vst v63  }
0x213: {  	_ =	swait.ge [sflag:s12], $0x5000  }
0x214: {  	[sflag:s12] =	ssyncset.done $0x0  }
0x215: {  	[sflag:s12] =	ssyncadd.s32 $0xFFFFB000  }
0x216: {  	[tilespmem:s6], [sflag:$0x4] =	stream.indirect.gather [hbm4b:s3+s5], $0x40, s25, s5, $0xb8;
	[tilespmem:$0x16800] =	vst v63  }
0x217: {  	_ =	swait.ge [sflag:s13], $0x5000  }
0x218: {  	[sflag:s13] =	ssyncset.done $0x0  }
0x219: {  	s0 =	rddreg [dreg:$0x18];
	[sflag:s13] =	ssyncadd.s32 $0xFFFFB000  }
0x21a: {  	[hbm4b:s0+s2] =	stream.linear.scatter [tilespmem:s7], [sflag:$0x6], $0x5000, $0x38;
	[tilespmem:$0x16800] =	vst v63  }
0x21b: {  	_ =	swait.ge [sflag:s8], $0x5000  }
0x21c: {  	[sflag:s8] =	ssyncset.done $0x0  }
0x21d: {  	[sflag:s8] =	ssyncadd.s32 $0xFFFFB000  }
0x21e: {  	[tilespmem:s10], [sflag:$0x1] =	stream.indirect.gather [hbm4b:s3+s5], $0x40, s24, s5, $0xb8;
	[tilespmem:$0x16800] =	vst v63  }
0x21f: {  	_ =	swait.ge [sflag:s14], $0x5000  }
0x220: {  	[sflag:s14] =	ssyncset.done $0x0  }
0x221: {  	s0 =	rddreg [dreg:$0x19];
	[sflag:s14] =	ssyncadd.s32 $0xFFFFB000  }
0x222: {  	[hbm4b:s0+s2] =	stream.linear.scatter [tilespmem:s4], [sflag:$0x7], $0x5000, $0x38;
	[tilespmem:$0x16800] =	vst v63  }
0x223: {  	_ =	swait.ge [sflag:s9], $0x5000  }
0x224: {  	[sflag:s9] =	ssyncset.done $0x0  }
0x225: {  	[sflag:s9] =	ssyncadd.s32 $0xFFFFB000  }
0x226: {  	[tilespmem:s7], [sflag:$0x2] =	stream.indirect.gather [hbm4b:s3+s5], $0x40, s23, s5, $0xb8;
	[tilespmem:$0x16800] =	vst v63  }
0x227: {  	_ =	swait.ge [sflag:s15], $0x5000  }
0x228: {  	[sflag:s15] =	ssyncset.done $0x0  }
0x229: {  	s0 =	rddreg [dreg:$0x1a];
	[sflag:s15] =	ssyncadd.s32 $0xFFFFB000  }
0x22a: {  	[hbm4b:s0+s2] =	stream.linear.scatter [tilespmem:s6], [sflag:$0x8], $0x5000, $0x38;
	[tilespmem:$0x16800] =	vst v63  }
0x22b: {  	_ =	swait.ge [sflag:s11], $0x5000  }
0x22c: {  	[sflag:s11] =	ssyncset.done $0x0  }
0x22d: {  	[sflag:s11] =	ssyncadd.s32 $0xFFFFB000  }
0x22e: {  	[tilespmem:s4], [sflag:$0x3] =	stream.indirect.gather [hbm4b:s3+s5], $0x40, s22, s5, $0xb8;
	[tilespmem:$0x16800] =	vst v63  }
0x22f: {  	_ =	swait.ge [sflag:s16], $0x5000  }
0x230: {  	[sflag:s16] =	ssyncset.done $0x0  }
0x231: {  	s0 =	rddreg [dreg:$0x1b];
	[sflag:s16] =	ssyncadd.s32 $0xFFFFB000  }
0x232: {  	[hbm4b:s0+s2] =	stream.linear.scatter [tilespmem:s10], [sflag:$0x5], $0x5000, $0x38;
	[tilespmem:$0x16800] =	vst v63  }
0x233: {  	_ =	swait.ge [sflag:s12], $0x5000  }
0x234: {  	[sflag:s12] =	ssyncset.done $0x0  }
0x235: {  	[sflag:s12] =	ssyncadd.s32 $0xFFFFB000  }
0x236: {  	[tilespmem:s6], [sflag:$0x4] =	stream.indirect.gather [hbm4b:s3+s5], $0x40, s21, s5, $0xb8;
	[tilespmem:$0x16800] =	vst v63  }
0x237: {  	_ =	swait.ge [sflag:s13], $0x5000  }
0x238: {  	[sflag:s13] =	ssyncset.done $0x0  }
0x239: {  	s0 =	rddreg [dreg:$0x1c];
	[sflag:s13] =	ssyncadd.s32 $0xFFFFB000  }
0x23a: {  	[hbm4b:s0+s2] =	stream.linear.scatter [tilespmem:s7], [sflag:$0x6], $0x5000, $0x38;
	[tilespmem:$0x16800] =	vst v63  }
0x23b: {  	_ =	swait.ge [sflag:s8], $0x5000  }
0x23c: {  	[sflag:s8] =	ssyncset.done $0x0  }
0x23d: {  	[sflag:s8] =	ssyncadd.s32 $0xFFFFB000  }
0x23e: {  	[tilespmem:s10], [sflag:$0x1] =	stream.indirect.gather [hbm4b:s3+s5], $0x40, s20, s5, $0xb8;
	[tilespmem:$0x16800] =	vst v63  }
0x23f: {  	_ =	swait.ge [sflag:s14], $0x5000  }
0x240: {  	[sflag:s14] =	ssyncset.done $0x0  }
0x241: {  	s0 =	rddreg [dreg:$0x1d];
	[sflag:s14] =	ssyncadd.s32 $0xFFFFB000  }
0x242: {  	[hbm4b:s0+s2] =	stream.linear.scatter [tilespmem:s4], [sflag:$0x7], $0x5000, $0x38;
	[tilespmem:$0x16800] =	vst v63  }
0x243: {  	_ =	swait.ge [sflag:s9], $0x5000  }
0x244: {  	[sflag:s9] =	ssyncset.done $0x0  }
0x245: {  	[sflag:s9] =	ssyncadd.s32 $0xFFFFB000  }
0x246: {  	[tilespmem:s7], [sflag:$0x2] =	stream.indirect.gather [hbm4b:s3+s5], $0x40, s19, s5, $0xb8;
	[tilespmem:$0x16800] =	vst v63  }
0x247: {  	_ =	swait.ge [sflag:s15], $0x5000  }
0x248: {  	[sflag:s15] =	ssyncset.done $0x0  }
0x249: {  	s0 =	rddreg [dreg:$0x1e];
	[sflag:s15] =	ssyncadd.s32 $0xFFFFB000  }
0x24a: {  	[hbm4b:s0+s2] =	stream.linear.scatter [tilespmem:s6], [sflag:$0x8], $0x5000, $0x38;
	[tilespmem:$0x16800] =	vst v63  }
0x24b: {  	_ =	swait.ge [sflag:s11], $0x5000  }
0x24c: {  	[sflag:s11] =	ssyncset.done $0x0  }
0x24d: {  	[sflag:s11] =	ssyncadd.s32 $0xFFFFB000  }
0x24e: {  	[tilespmem:s4], [sflag:$0x3] =	stream.indirect.gather [hbm4b:s3+s5], $0x40, s18, s5, $0xb8;
	[tilespmem:$0x16800] =	vst v63  }
0x24f: {  	_ =	swait.ge [sflag:s16], $0x5000  }
0x250: {  	[sflag:s16] =	ssyncset.done $0x0  }
0x251: {  	s0 =	rddreg [dreg:$0x1f];
	[sflag:s16] =	ssyncadd.s32 $0xFFFFB000  }
0x252: {  	[hbm4b:s0+s2] =	stream.linear.scatter [tilespmem:s10], [sflag:$0x5], $0x5000, $0x38;
	[tilespmem:$0x16800] =	vst v63  }
0x253: {  	_ =	swait.ge [sflag:s12], $0x5000  }
0x254: {  	[sflag:s12] =	ssyncset.done $0x0  }
0x255: {  	[sflag:s12] =	ssyncadd.s32 $0xFFFFB000  }
0x256: {  	[tilespmem:s6], [sflag:$0x4] =	stream.indirect.gather [hbm4b:s3+s5], $0x40, s17, s5, $0xb8;
	[tilespmem:$0x16800] =	vst v63  }
0x257: {  	_ =	swait.ge [sflag:s13], $0x5000  }
0x258: {  	s0 =	sld [smem:$0x7E9]  }
0x259: {  	[sflag:s13] =	ssyncset.done $0x0  }
0x25a: {  	[sflag:s13] =	ssyncadd.s32 $0xFFFFB000  }
0x25b: {  	[hbm4b:s0+s2] =	stream.linear.scatter [tilespmem:s7], [sflag:$0x6], $0x5000, $0x38;
	[tilespmem:$0x16800] =	vst v63  }
0x25c: {  	_ =	swait.ge [sflag:s14], $0x5000  }
0x25d: {  	s0 =	sld [smem:$0x7EA]  }
0x25e: {  	[sflag:s14] =	ssyncset.done $0x0  }
0x25f: {  	[sflag:s14] =	ssyncadd.s32 $0xFFFFB000  }
0x260: {  	[hbm4b:s0+s2] =	stream.linear.scatter [tilespmem:s4], [sflag:$0x7], $0x5000, $0x38;
	[tilespmem:$0x16800] =	vst v63  }
0x261: {  	_ =	swait.ge [sflag:s15], $0x5000  }
0x262: {  	s0 =	sld [smem:$0x7EB]  }
0x263: {  	[sflag:s15] =	ssyncset.done $0x0  }
0x264: {  	[sflag:s15] =	ssyncadd.s32 $0xFFFFB000  }
0x265: {  	[hbm4b:s0+s2] =	stream.linear.scatter [tilespmem:s6], [sflag:$0x8], $0x5000, $0x38;
	[tilespmem:$0x16800] =	vst v63  }
0x266: {  	_ =	swait.ge [sflag:s8], $0x5000  }
0x267: {  	[sflag:s8] =	ssyncset.done $0x0  }
0x268: {  	[sflag:s8] =	ssyncadd.s32 $0xFFFFB000  }
0x269: {  	_ =	swait.ge [sflag:s9], $0x5000  }
0x26a: {  	[sflag:s9] =	ssyncset.done $0x0  }
0x26b: {  	p1 =	sne.s32 s1, $0x1;
	[sflag:s9] =	ssyncadd.s32 $0xFFFFB000  }
.Ltmp2:
0x26c: {  	_ =	swait.ge [sflag:s11], $0x5000;
	(pc) =	sbr.rel @p1 .LBB2_2-.Ltmp2, $4  }
0x26d: {  	[sflag:s11] =	ssyncset.done $0x0  }
0x26e: {  	[sflag:s11] =	ssyncadd.s32 $0xFFFFB000  }
0x26f: {  	_ =	swait.ge [sflag:s12], $0x5000  }
0x270: {  	s1 =	sadd.s32 $0xFFFFFFFF, s1;
	s0 =	rddreg [dreg:$0x3];
	[sflag:s12] =	ssyncset.done $0x0  }
.LBB2_3:
0x271: {  	[sflag:s12] =	ssyncadd.s32 @p0 $0xFFFFB000  }
0x272: {  	[tilespmem:s2], [sflag:$0x9] =	stream.linear.gather [hbm4b:s0+s2], $0x2800, $0x38;
	[tilespmem:$0x16800] =	vst v63  }
0x273: {  	_ =	swait.ge [sflag:s31], $0x2800  }
0x274: {  	[sflag:s31] =	ssyncset.done $0x0  }
0x275: {  	[sflag:s31] =	ssyncadd.s32 $0xFFFFD800  }
0x276: {  	[tilespmem:s10], [sflag:$0x1] =	stream.indirect.gather [hbm4b:s3+s5], $0x40, s2, s5, $0xb8;
	[tilespmem:$0x16800] =	vst v63  }
0x277: {  	s1 =	sld [smem:$0x7EC]  }
0x278: {  	[tilespmem:s7], [sflag:$0x2] =	stream.indirect.gather [hbm4b:s3+s5], $0x40, s5, s5, $0xb8;
	[tilespmem:$0x16800] =	vst v63  }
0x279: {  	_ = 	snop  }
0x27a: {  	[tilespmem:s4], [sflag:$0x3] =	stream.indirect.gather [hbm4b:s3+s5], $0x40, s1, s5, $0xb8;
	[tilespmem:$0x16800] =	vst v63  }
0x27b: {  	_ =	swait.ge [sflag:s16], $0x5000  }
0x27c: {  	[sflag:s16] =	ssyncset.done $0x0  }
0x27d: {  	s31 =	sld [smem:$0x7ED];
	[sflag:s16] =	ssyncadd.s32 $0xFFFFB000  }
0x27e: {  	[hbm4b:s30+s2] =	stream.linear.scatter [tilespmem:s10], [sflag:$0x5], $0x5000, $0x38;
	[tilespmem:$0x16800] =	vst v63  }
0x27f: {  	_ = 	snop  }
0x280: {  	[tilespmem:s6], [sflag:$0x4] =	stream.indirect.gather [hbm4b:s3+s5], $0x40, s31, s5, $0xb8;
	[tilespmem:$0x16800] =	vst v63  }
0x281: {  	_ =	swait.ge [sflag:s13], $0x5000  }
0x282: {  	[sflag:s13] =	ssyncset.done $0x0  }
0x283: {  	s1 =	rddreg [dreg:$0x4];
	[sflag:s13] =	ssyncadd.s32 $0xFFFFB000  }
0x284: {  	[hbm4b:s1+s2] =	stream.linear.scatter [tilespmem:s7], [sflag:$0x6], $0x5000, $0x38;
	[tilespmem:$0x16800] =	vst v63  }
0x285: {  	_ =	swait.ge [sflag:s8], $0x5000  }
0x286: {  	s30 =	sld [smem:$0x7EE]  }
0x287: {  	[sflag:s8] =	ssyncset.done $0x0  }
0x288: {  	[sflag:s8] =	ssyncadd.s32 $0xFFFFB000  }
0x289: {  	[tilespmem:s10], [sflag:$0x1] =	stream.indirect.gather [hbm4b:s3+s5], $0x40, s30, s5, $0xb8;
	[tilespmem:$0x16800] =	vst v63  }
0x28a: {  	_ =	swait.ge [sflag:s14], $0x5000  }
0x28b: {  	[sflag:s14] =	ssyncset.done $0x0  }
0x28c: {  	s31 =	rddreg [dreg:$0x5];
	[sflag:s14] =	ssyncadd.s32 $0xFFFFB000  }
0x28d: {  	[hbm4b:s31+s2] =	stream.linear.scatter [tilespmem:s4], [sflag:$0x7], $0x5000, $0x38;
	[tilespmem:$0x16800] =	vst v63  }
0x28e: {  	_ =	swait.ge [sflag:s9], $0x5000  }
0x28f: {  	s1 =	sld [smem:$0x7EF]  }
0x290: {  	[sflag:s9] =	ssyncset.done $0x0  }
0x291: {  	[sflag:s9] =	ssyncadd.s32 $0xFFFFB000  }
0x292: {  	[tilespmem:s7], [sflag:$0x2] =	stream.indirect.gather [hbm4b:s3+s5], $0x40, s1, s5, $0xb8;
	[tilespmem:$0x16800] =	vst v63  }
0x293: {  	_ =	swait.ge [sflag:s15], $0x5000  }
0x294: {  	[sflag:s15] =	ssyncset.done $0x0  }
0x295: {  	s30 =	rddreg [dreg:$0x6];
	[sflag:s15] =	ssyncadd.s32 $0xFFFFB000  }
0x296: {  	[hbm4b:s30+s2] =	stream.linear.scatter [tilespmem:s6], [sflag:$0x8], $0x5000, $0x38;
	[tilespmem:$0x16800] =	vst v63  }
0x297: {  	_ =	swait.ge [sflag:s11], $0x5000  }
0x298: {  	s31 =	sld [smem:$0x7F0]  }
0x299: {  	[sflag:s11] =	ssyncset.done $0x0  }
0x29a: {  	[sflag:s11] =	ssyncadd.s32 $0xFFFFB000  }
0x29b: {  	[tilespmem:s4], [sflag:$0x3] =	stream.indirect.gather [hbm4b:s3+s5], $0x40, s31, s5, $0xb8;
	[tilespmem:$0x16800] =	vst v63  }
0x29c: {  	_ =	swait.ge [sflag:s16], $0x5000  }
0x29d: {  	[sflag:s16] =	ssyncset.done $0x0  }
0x29e: {  	s1 =	rddreg [dreg:$0x7];
	[sflag:s16] =	ssyncadd.s32 $0xFFFFB000  }
0x29f: {  	[hbm4b:s1+s2] =	stream.linear.scatter [tilespmem:s10], [sflag:$0x5], $0x5000, $0x38;
	[tilespmem:$0x16800] =	vst v63  }
0x2a0: {  	_ =	swait.ge [sflag:s12], $0x5000  }
0x2a1: {  	s30 =	sld [smem:$0x7F1]  }
0x2a2: {  	[sflag:s12] =	ssyncset.done $0x0  }
0x2a3: {  	[sflag:s12] =	ssyncadd.s32 $0xFFFFB000  }
0x2a4: {  	[tilespmem:s6], [sflag:$0x4] =	stream.indirect.gather [hbm4b:s3+s5], $0x40, s30, s5, $0xb8;
	[tilespmem:$0x16800] =	vst v63  }
0x2a5: {  	_ =	swait.ge [sflag:s13], $0x5000  }
0x2a6: {  	[sflag:s13] =	ssyncset.done $0x0  }
0x2a7: {  	s31 =	rddreg [dreg:$0x8];
	[sflag:s13] =	ssyncadd.s32 $0xFFFFB000  }
0x2a8: {  	[hbm4b:s31+s2] =	stream.linear.scatter [tilespmem:s7], [sflag:$0x6], $0x5000, $0x38;
	[tilespmem:$0x16800] =	vst v63  }
0x2a9: {  	_ =	swait.ge [sflag:s8], $0x5000  }
0x2aa: {  	s1 =	sld [smem:$0x7F2]  }
0x2ab: {  	[sflag:s8] =	ssyncset.done $0x0  }
0x2ac: {  	[sflag:s8] =	ssyncadd.s32 $0xFFFFB000  }
0x2ad: {  	[tilespmem:s10], [sflag:$0x1] =	stream.indirect.gather [hbm4b:s3+s5], $0x40, s1, s5, $0xb8;
	[tilespmem:$0x16800] =	vst v63  }
0x2ae: {  	_ =	swait.ge [sflag:s14], $0x5000  }
0x2af: {  	[sflag:s14] =	ssyncset.done $0x0  }
0x2b0: {  	s30 =	rddreg [dreg:$0x9];
	[sflag:s14] =	ssyncadd.s32 $0xFFFFB000  }
0x2b1: {  	[hbm4b:s30+s2] =	stream.linear.scatter [tilespmem:s4], [sflag:$0x7], $0x5000, $0x38;
	[tilespmem:$0x16800] =	vst v63  }
0x2b2: {  	_ =	swait.ge [sflag:s9], $0x5000  }
0x2b3: {  	s31 =	sld [smem:$0x7F3]  }
0x2b4: {  	[sflag:s9] =	ssyncset.done $0x0  }
0x2b5: {  	[sflag:s9] =	ssyncadd.s32 $0xFFFFB000  }
0x2b6: {  	[tilespmem:s7], [sflag:$0x2] =	stream.indirect.gather [hbm4b:s3+s5], $0x40, s31, s5, $0xb8;
	[tilespmem:$0x16800] =	vst v63  }
0x2b7: {  	_ =	swait.ge [sflag:s15], $0x5000  }
0x2b8: {  	[sflag:s15] =	ssyncset.done $0x0  }
0x2b9: {  	s1 =	rddreg [dreg:$0xa];
	[sflag:s15] =	ssyncadd.s32 $0xFFFFB000  }
0x2ba: {  	[hbm4b:s1+s2] =	stream.linear.scatter [tilespmem:s6], [sflag:$0x8], $0x5000, $0x38;
	[tilespmem:$0x16800] =	vst v63  }
0x2bb: {  	_ =	swait.ge [sflag:s11], $0x5000  }
0x2bc: {  	s30 =	sld [smem:$0x7F4]  }
0x2bd: {  	[sflag:s11] =	ssyncset.done $0x0  }
0x2be: {  	[sflag:s11] =	ssyncadd.s32 $0xFFFFB000  }
0x2bf: {  	[tilespmem:s4], [sflag:$0x3] =	stream.indirect.gather [hbm4b:s3+s5], $0x40, s30, s5, $0xb8;
	[tilespmem:$0x16800] =	vst v63  }
0x2c0: {  	_ =	swait.ge [sflag:s16], $0x5000  }
0x2c1: {  	[sflag:s16] =	ssyncset.done $0x0  }
0x2c2: {  	s31 =	rddreg [dreg:$0xb];
	[sflag:s16] =	ssyncadd.s32 $0xFFFFB000  }
0x2c3: {  	[hbm4b:s31+s2] =	stream.linear.scatter [tilespmem:s10], [sflag:$0x5], $0x5000, $0x38;
	[tilespmem:$0x16800] =	vst v63  }
0x2c4: {  	_ =	swait.ge [sflag:s12], $0x5000  }
0x2c5: {  	s1 =	sld [smem:$0x7F5]  }
0x2c6: {  	[sflag:s12] =	ssyncset.done $0x0  }
0x2c7: {  	[sflag:s12] =	ssyncadd.s32 $0xFFFFB000  }
0x2c8: {  	[tilespmem:s6], [sflag:$0x4] =	stream.indirect.gather [hbm4b:s3+s5], $0x40, s1, s5, $0xb8;
	[tilespmem:$0x16800] =	vst v63  }
0x2c9: {  	_ =	swait.ge [sflag:s13], $0x5000  }
0x2ca: {  	[sflag:s13] =	ssyncset.done $0x0  }
0x2cb: {  	s30 =	rddreg [dreg:$0xc];
	[sflag:s13] =	ssyncadd.s32 $0xFFFFB000  }
0x2cc: {  	[hbm4b:s30+s2] =	stream.linear.scatter [tilespmem:s7], [sflag:$0x6], $0x5000, $0x38;
	[tilespmem:$0x16800] =	vst v63  }
0x2cd: {  	_ =	swait.ge [sflag:s8], $0x5000  }
0x2ce: {  	s31 =	sld [smem:$0x7F6]  }
0x2cf: {  	[sflag:s8] =	ssyncset.done $0x0  }
0x2d0: {  	[sflag:s8] =	ssyncadd.s32 $0xFFFFB000  }
0x2d1: {  	[tilespmem:s10], [sflag:$0x1] =	stream.indirect.gather [hbm4b:s3+s5], $0x40, s31, s5, $0xb8;
	[tilespmem:$0x16800] =	vst v63  }
0x2d2: {  	_ =	swait.ge [sflag:s14], $0x5000  }
0x2d3: {  	[sflag:s14] =	ssyncset.done $0x0  }
0x2d4: {  	s1 =	rddreg [dreg:$0xd];
	[sflag:s14] =	ssyncadd.s32 $0xFFFFB000  }
0x2d5: {  	[hbm4b:s1+s2] =	stream.linear.scatter [tilespmem:s4], [sflag:$0x7], $0x5000, $0x38;
	[tilespmem:$0x16800] =	vst v63  }
0x2d6: {  	_ =	swait.ge [sflag:s9], $0x5000  }
0x2d7: {  	s30 =	sld [smem:$0x7F7]  }
0x2d8: {  	[sflag:s9] =	ssyncset.done $0x0  }
0x2d9: {  	[sflag:s9] =	ssyncadd.s32 $0xFFFFB000  }
0x2da: {  	[tilespmem:s7], [sflag:$0x2] =	stream.indirect.gather [hbm4b:s3+s5], $0x40, s30, s5, $0xb8;
	[tilespmem:$0x16800] =	vst v63  }
0x2db: {  	_ =	swait.ge [sflag:s15], $0x5000  }
0x2dc: {  	[sflag:s15] =	ssyncset.done $0x0  }
0x2dd: {  	s31 =	rddreg [dreg:$0xe];
	[sflag:s15] =	ssyncadd.s32 $0xFFFFB000  }
0x2de: {  	[hbm4b:s31+s2] =	stream.linear.scatter [tilespmem:s6], [sflag:$0x8], $0x5000, $0x38;
	[tilespmem:$0x16800] =	vst v63  }
0x2df: {  	_ =	swait.ge [sflag:s11], $0x5000  }
0x2e0: {  	s1 =	sld [smem:$0x7F8]  }
0x2e1: {  	[sflag:s11] =	ssyncset.done $0x0  }
0x2e2: {  	[sflag:s11] =	ssyncadd.s32 $0xFFFFB000  }
0x2e3: {  	[tilespmem:s4], [sflag:$0x3] =	stream.indirect.gather [hbm4b:s3+s5], $0x40, s1, s5, $0xb8;
	[tilespmem:$0x16800] =	vst v63  }
0x2e4: {  	_ =	swait.ge [sflag:s16], $0x5000  }
0x2e5: {  	[sflag:s16] =	ssyncset.done $0x0  }
0x2e6: {  	s30 =	rddreg [dreg:$0xf];
	[sflag:s16] =	ssyncadd.s32 $0xFFFFB000  }
0x2e7: {  	[hbm4b:s30+s2] =	stream.linear.scatter [tilespmem:s10], [sflag:$0x5], $0x5000, $0x38;
	[tilespmem:$0x16800] =	vst v63  }
0x2e8: {  	_ =	swait.ge [sflag:s12], $0x5000  }
0x2e9: {  	s31 =	sld [smem:$0x7F9]  }
0x2ea: {  	[sflag:s12] =	ssyncset.done $0x0  }
0x2eb: {  	[sflag:s12] =	ssyncadd.s32 $0xFFFFB000  }
0x2ec: {  	[tilespmem:s6], [sflag:$0x4] =	stream.indirect.gather [hbm4b:s3+s5], $0x40, s31, s5, $0xb8;
	[tilespmem:$0x16800] =	vst v63  }
0x2ed: {  	_ =	swait.ge [sflag:s13], $0x5000  }
0x2ee: {  	[sflag:s13] =	ssyncset.done $0x0  }
0x2ef: {  	s1 =	rddreg [dreg:$0x10];
	[sflag:s13] =	ssyncadd.s32 $0xFFFFB000  }
0x2f0: {  	[hbm4b:s1+s2] =	stream.linear.scatter [tilespmem:s7], [sflag:$0x6], $0x5000, $0x38;
	[tilespmem:$0x16800] =	vst v63  }
0x2f1: {  	_ =	swait.ge [sflag:s8], $0x5000  }
0x2f2: {  	s30 =	sld [smem:$0x7FA]  }
0x2f3: {  	[sflag:s8] =	ssyncset.done $0x0  }
0x2f4: {  	[sflag:s8] =	ssyncadd.s32 $0xFFFFB000  }
0x2f5: {  	[tilespmem:s10], [sflag:$0x1] =	stream.indirect.gather [hbm4b:s3+s5], $0x40, s30, s5, $0xb8;
	[tilespmem:$0x16800] =	vst v63  }
0x2f6: {  	_ =	swait.ge [sflag:s14], $0x5000  }
0x2f7: {  	[sflag:s14] =	ssyncset.done $0x0  }
0x2f8: {  	s31 =	rddreg [dreg:$0x11];
	[sflag:s14] =	ssyncadd.s32 $0xFFFFB000  }
0x2f9: {  	[hbm4b:s31+s2] =	stream.linear.scatter [tilespmem:s4], [sflag:$0x7], $0x5000, $0x38;
	[tilespmem:$0x16800] =	vst v63  }
0x2fa: {  	_ =	swait.ge [sflag:s9], $0x5000  }
0x2fb: {  	s1 =	sld [smem:$0x7FB]  }
0x2fc: {  	[sflag:s9] =	ssyncset.done $0x0  }
0x2fd: {  	[sflag:s9] =	ssyncadd.s32 $0xFFFFB000  }
0x2fe: {  	[tilespmem:s7], [sflag:$0x2] =	stream.indirect.gather [hbm4b:s3+s5], $0x40, s1, s5, $0xb8;
	[tilespmem:$0x16800] =	vst v63  }
0x2ff: {  	_ =	swait.ge [sflag:s15], $0x5000  }
0x300: {  	[sflag:s15] =	ssyncset.done $0x0  }
0x301: {  	s30 =	rddreg [dreg:$0x12];
	[sflag:s15] =	ssyncadd.s32 $0xFFFFB000  }
0x302: {  	[hbm4b:s30+s2] =	stream.linear.scatter [tilespmem:s6], [sflag:$0x8], $0x5000, $0x38;
	[tilespmem:$0x16800] =	vst v63  }
0x303: {  	_ =	swait.ge [sflag:s11], $0x5000  }
0x304: {  	s31 =	sld [smem:$0x7FC]  }
0x305: {  	[sflag:s11] =	ssyncset.done $0x0  }
0x306: {  	[sflag:s11] =	ssyncadd.s32 $0xFFFFB000  }
0x307: {  	[tilespmem:s4], [sflag:$0x3] =	stream.indirect.gather [hbm4b:s3+s5], $0x40, s31, s5, $0xb8;
	[tilespmem:$0x16800] =	vst v63  }
0x308: {  	_ =	swait.ge [sflag:s16], $0x5000  }
0x309: {  	[sflag:s16] =	ssyncset.done $0x0  }
0x30a: {  	s1 =	rddreg [dreg:$0x13];
	[sflag:s16] =	ssyncadd.s32 $0xFFFFB000  }
0x30b: {  	[hbm4b:s1+s2] =	stream.linear.scatter [tilespmem:s10], [sflag:$0x5], $0x5000, $0x38;
	[tilespmem:$0x16800] =	vst v63  }
0x30c: {  	_ =	swait.ge [sflag:s12], $0x5000  }
0x30d: {  	s30 =	sld [smem:$0x7FD]  }
0x30e: {  	[sflag:s12] =	ssyncset.done $0x0  }
0x30f: {  	[sflag:s12] =	ssyncadd.s32 $0xFFFFB000  }
0x310: {  	[tilespmem:s6], [sflag:$0x4] =	stream.indirect.gather [hbm4b:s3+s5], $0x40, s30, s5, $0xb8;
	[tilespmem:$0x16800] =	vst v63  }
0x311: {  	_ =	swait.ge [sflag:s13], $0x5000  }
0x312: {  	[sflag:s13] =	ssyncset.done $0x0  }
0x313: {  	s31 =	rddreg [dreg:$0x14];
	[sflag:s13] =	ssyncadd.s32 $0xFFFFB000  }
0x314: {  	[hbm4b:s31+s2] =	stream.linear.scatter [tilespmem:s7], [sflag:$0x6], $0x5000, $0x38;
	[tilespmem:$0x16800] =	vst v63  }
0x315: {  	_ =	swait.ge [sflag:s8], $0x5000  }
0x316: {  	[sflag:s8] =	ssyncset.done $0x0  }
0x317: {  	[sflag:s8] =	ssyncadd.s32 $0xFFFFB000  }
0x318: {  	[tilespmem:s10], [sflag:$0x1] =	stream.indirect.gather [hbm4b:s3+s5], $0x40, s29, s5, $0xb8;
	[tilespmem:$0x16800] =	vst v63  }
0x319: {  	_ =	swait.ge [sflag:s14], $0x5000  }
0x31a: {  	[sflag:s14] =	ssyncset.done $0x0  }
0x31b: {  	s1 =	rddreg [dreg:$0x15];
	[sflag:s14] =	ssyncadd.s32 $0xFFFFB000  }
0x31c: {  	[hbm4b:s1+s2] =	stream.linear.scatter [tilespmem:s4], [sflag:$0x7], $0x5000, $0x38;
	[tilespmem:$0x16800] =	vst v63  }
0x31d: {  	_ =	swait.ge [sflag:s9], $0x5000  }
0x31e: {  	[sflag:s9] =	ssyncset.done $0x0  }
0x31f: {  	[sflag:s9] =	ssyncadd.s32 $0xFFFFB000  }
0x320: {  	[tilespmem:s7], [sflag:$0x2] =	stream.indirect.gather [hbm4b:s3+s5], $0x40, s28, s5, $0xb8;
	[tilespmem:$0x16800] =	vst v63  }
0x321: {  	_ =	swait.ge [sflag:s15], $0x5000  }
0x322: {  	[sflag:s15] =	ssyncset.done $0x0  }
0x323: {  	s28 =	rddreg [dreg:$0x16];
	[sflag:s15] =	ssyncadd.s32 $0xFFFFB000  }
0x324: {  	[hbm4b:s28+s2] =	stream.linear.scatter [tilespmem:s6], [sflag:$0x8], $0x5000, $0x38;
	[tilespmem:$0x16800] =	vst v63  }
0x325: {  	_ =	swait.ge [sflag:s11], $0x5000  }
0x326: {  	[sflag:s11] =	ssyncset.done $0x0  }
0x327: {  	[sflag:s11] =	ssyncadd.s32 $0xFFFFB000  }
0x328: {  	[tilespmem:s4], [sflag:$0x3] =	stream.indirect.gather [hbm4b:s3+s5], $0x40, s26, s5, $0xb8;
	[tilespmem:$0x16800] =	vst v63  }
0x329: {  	_ =	swait.ge [sflag:s16], $0x5000  }
0x32a: {  	[sflag:s16] =	ssyncset.done $0x0  }
0x32b: {  	s29 =	rddreg [dreg:$0x17];
	[sflag:s16] =	ssyncadd.s32 $0xFFFFB000  }
0x32c: {  	[hbm4b:s29+s2] =	stream.linear.scatter [tilespmem:s10], [sflag:$0x5], $0x5000, $0x38;
	[tilespmem:$0x16800] =	vst v63  }
0x32d: {  	_ =	swait.ge [sflag:s12], $0x5000  }
0x32e: {  	[sflag:s12] =	ssyncset.done $0x0  }
0x32f: {  	[sflag:s12] =	ssyncadd.s32 $0xFFFFB000  }
0x330: {  	[tilespmem:s6], [sflag:$0x4] =	stream.indirect.gather [hbm4b:s3+s5], $0x40, s25, s5, $0xb8;
	[tilespmem:$0x16800] =	vst v63  }
0x331: {  	_ =	swait.ge [sflag:s13], $0x5000  }
0x332: {  	[sflag:s13] =	ssyncset.done $0x0  }
0x333: {  	s30 =	rddreg [dreg:$0x18];
	[sflag:s13] =	ssyncadd.s32 $0xFFFFB000  }
0x334: {  	[hbm4b:s30+s2] =	stream.linear.scatter [tilespmem:s7], [sflag:$0x6], $0x5000, $0x38;
	[tilespmem:$0x16800] =	vst v63  }
0x335: {  	_ =	swait.ge [sflag:s8], $0x5000  }
0x336: {  	[sflag:s8] =	ssyncset.done $0x0  }
0x337: {  	[sflag:s8] =	ssyncadd.s32 $0xFFFFB000  }
0x338: {  	[tilespmem:s10], [sflag:$0x1] =	stream.indirect.gather [hbm4b:s3+s5], $0x40, s24, s5, $0xb8;
	[tilespmem:$0x16800] =	vst v63  }
0x339: {  	_ =	swait.ge [sflag:s14], $0x5000  }
0x33a: {  	[sflag:s14] =	ssyncset.done $0x0  }
0x33b: {  	s31 =	rddreg [dreg:$0x19];
	[sflag:s14] =	ssyncadd.s32 $0xFFFFB000  }
0x33c: {  	[hbm4b:s31+s2] =	stream.linear.scatter [tilespmem:s4], [sflag:$0x7], $0x5000, $0x38;
	[tilespmem:$0x16800] =	vst v63  }
0x33d: {  	_ =	swait.ge [sflag:s9], $0x5000  }
0x33e: {  	[sflag:s9] =	ssyncset.done $0x0  }
0x33f: {  	[sflag:s9] =	ssyncadd.s32 $0xFFFFB000  }
0x340: {  	[tilespmem:s7], [sflag:$0x2] =	stream.indirect.gather [hbm4b:s3+s5], $0x40, s23, s5, $0xb8;
	[tilespmem:$0x16800] =	vst v63  }
0x341: {  	_ =	swait.ge [sflag:s15], $0x5000  }
0x342: {  	[sflag:s15] =	ssyncset.done $0x0  }
0x343: {  	s1 =	rddreg [dreg:$0x1a];
	[sflag:s15] =	ssyncadd.s32 $0xFFFFB000  }
0x344: {  	[hbm4b:s1+s2] =	stream.linear.scatter [tilespmem:s6], [sflag:$0x8], $0x5000, $0x38;
	[tilespmem:$0x16800] =	vst v63  }
0x345: {  	_ =	swait.ge [sflag:s11], $0x5000  }
0x346: {  	[sflag:s11] =	ssyncset.done $0x0  }
0x347: {  	[sflag:s11] =	ssyncadd.s32 $0xFFFFB000  }
0x348: {  	[tilespmem:s4], [sflag:$0x3] =	stream.indirect.gather [hbm4b:s3+s5], $0x40, s22, s5, $0xb8;
	[tilespmem:$0x16800] =	vst v63  }
0x349: {  	_ =	swait.ge [sflag:s16], $0x5000  }
0x34a: {  	[sflag:s16] =	ssyncset.done $0x0  }
0x34b: {  	s22 =	rddreg [dreg:$0x1b];
	[sflag:s16] =	ssyncadd.s32 $0xFFFFB000  }
0x34c: {  	[hbm4b:s22+s2] =	stream.linear.scatter [tilespmem:s10], [sflag:$0x5], $0x5000, $0x38;
	[tilespmem:$0x16800] =	vst v63  }
0x34d: {  	_ =	swait.ge [sflag:s12], $0x5000  }
0x34e: {  	[sflag:s12] =	ssyncset.done $0x0  }
0x34f: {  	[sflag:s12] =	ssyncadd.s32 $0xFFFFB000  }
0x350: {  	[tilespmem:s6], [sflag:$0x4] =	stream.indirect.gather [hbm4b:s3+s5], $0x40, s21, s5, $0xb8;
	[tilespmem:$0x16800] =	vst v63  }
0x351: {  	_ =	swait.ge [sflag:s13], $0x5000  }
0x352: {  	[sflag:s13] =	ssyncset.done $0x0  }
0x353: {  	s23 =	rddreg [dreg:$0x1c];
	[sflag:s13] =	ssyncadd.s32 $0xFFFFB000  }
0x354: {  	[hbm4b:s23+s2] =	stream.linear.scatter [tilespmem:s7], [sflag:$0x6], $0x5000, $0x38;
	[tilespmem:$0x16800] =	vst v63  }
0x355: {  	_ =	swait.ge [sflag:s8], $0x5000  }
0x356: {  	[sflag:s8] =	ssyncset.done $0x0  }
0x357: {  	[sflag:s8] =	ssyncadd.s32 $0xFFFFB000  }
0x358: {  	[tilespmem:s10], [sflag:$0x1] =	stream.indirect.gather [hbm4b:s3+s5], $0x40, s20, s5, $0xb8;
	[tilespmem:$0x16800] =	vst v63  }
0x359: {  	_ =	swait.ge [sflag:s14], $0x5000  }
0x35a: {  	[sflag:s14] =	ssyncset.done $0x0  }
0x35b: {  	s24 =	rddreg [dreg:$0x1d];
	[sflag:s14] =	ssyncadd.s32 $0xFFFFB000  }
0x35c: {  	[hbm4b:s24+s2] =	stream.linear.scatter [tilespmem:s4], [sflag:$0x7], $0x5000, $0x38;
	[tilespmem:$0x16800] =	vst v63  }
0x35d: {  	_ =	swait.ge [sflag:s9], $0x5000  }
0x35e: {  	[sflag:s9] =	ssyncset.done $0x0  }
0x35f: {  	[sflag:s9] =	ssyncadd.s32 $0xFFFFB000  }
0x360: {  	[tilespmem:s7], [sflag:$0x2] =	stream.indirect.gather [hbm4b:s3+s5], $0x40, s19, s5, $0xb8;
	[tilespmem:$0x16800] =	vst v63  }
0x361: {  	_ =	swait.ge [sflag:s15], $0x5000  }
0x362: {  	[sflag:s15] =	ssyncset.done $0x0  }
0x363: {  	s25 =	rddreg [dreg:$0x1e];
	[sflag:s15] =	ssyncadd.s32 $0xFFFFB000  }
0x364: {  	[hbm4b:s25+s2] =	stream.linear.scatter [tilespmem:s6], [sflag:$0x8], $0x5000, $0x38;
	[tilespmem:$0x16800] =	vst v63  }
0x365: {  	_ =	swait.ge [sflag:s11], $0x5000  }
0x366: {  	[sflag:s11] =	ssyncset.done $0x0  }
0x367: {  	[sflag:s11] =	ssyncadd.s32 $0xFFFFB000  }
0x368: {  	[tilespmem:s4], [sflag:$0x3] =	stream.indirect.gather [hbm4b:s3+s5], $0x40, s18, s5, $0xb8;
	[tilespmem:$0x16800] =	vst v63  }
0x369: {  	_ =	swait.ge [sflag:s16], $0x5000  }
0x36a: {  	[sflag:s16] =	ssyncset.done $0x0  }
0x36b: {  	s26 =	rddreg [dreg:$0x1f];
	[sflag:s16] =	ssyncadd.s32 $0xFFFFB000  }
0x36c: {  	[hbm4b:s26+s2] =	stream.linear.scatter [tilespmem:s10], [sflag:$0x5], $0x5000, $0x38;
	[tilespmem:$0x16800] =	vst v63  }
0x36d: {  	_ =	swait.ge [sflag:s12], $0x5000  }
0x36e: {  	[sflag:s12] =	ssyncset.done $0x0  }
0x36f: {  	[sflag:s12] =	ssyncadd.s32 $0xFFFFB000  }
0x370: {  	[tilespmem:s6], [sflag:$0x4] =	stream.indirect.gather [hbm4b:s3+s5], $0x40, s17, s5, $0xb8;
	[tilespmem:$0x16800] =	vst v63  }
0x371: {  	_ =	swait.ge [sflag:s13], $0x5000  }
0x372: {  	s28 =	sld [smem:$0x7E9]  }
0x373: {  	[sflag:s13] =	ssyncset.done $0x0  }
0x374: {  	[sflag:s13] =	ssyncadd.s32 $0xFFFFB000  }
0x375: {  	[hbm4b:s28+s2] =	stream.linear.scatter [tilespmem:s7], [sflag:$0x6], $0x5000, $0x38;
	[tilespmem:$0x16800] =	vst v63  }
0x376: {  	_ =	swait.ge [sflag:s14], $0x5000  }
0x377: {  	s29 =	sld [smem:$0x7EA]  }
0x378: {  	[sflag:s14] =	ssyncset.done $0x0  }
0x379: {  	[sflag:s14] =	ssyncadd.s32 $0xFFFFB000  }
0x37a: {  	[hbm4b:s29+s2] =	stream.linear.scatter [tilespmem:s4], [sflag:$0x7], $0x5000, $0x38;
	[tilespmem:$0x16800] =	vst v63  }
0x37b: {  	_ =	swait.ge [sflag:s15], $0x5000  }
0x37c: {  	s30 =	sld [smem:$0x7EB]  }
0x37d: {  	[sflag:s15] =	ssyncset.done $0x0  }
0x37e: {  	[sflag:s15] =	ssyncadd.s32 $0xFFFFB000  }
0x37f: {  	[hbm4b:s30+s2] =	stream.linear.scatter [tilespmem:s6], [sflag:$0x8], $0x5000, $0x38;
	[tilespmem:$0x16800] =	vst v63  }
0x380: {  	_ =	swait.ge [sflag:s8], $0x5000  }
0x381: {  	[sflag:s8] =	ssyncset.done $0x0  }
0x382: {  	[sflag:s8] =	ssyncadd.s32 $0xFFFFB000  }
0x383: {  	_ =	swait.ge [sflag:s9], $0x5000  }
0x384: {  	[sflag:s9] =	ssyncset.done $0x0  }
0x385: {  	[sflag:s9] =	ssyncadd.s32 $0xFFFFB000  }
0x386: {  	_ =	swait.ge [sflag:s11], $0x5000  }
0x387: {  	[sflag:s11] =	ssyncset.done $0x0  }
0x388: {  	[sflag:s11] =	ssyncadd.s32 $0xFFFFB000  }
0x389: {  	_ =	swait.ge [sflag:s12], $0x5000  }
0x38a: {  	[sflag:s12] =	ssyncset.done $0x0  }
0x38b: {  	[sflag:s12] =	ssyncadd.s32 $0xFFFFB000  }
0x38c: {  	_ =	sfence.sel $0x180000  }
0x38d: {  	[bflag:$0x0] =	sbarrier.arrive $0xFFFF  }
0x38e: {  	_ =	strace $0x90000047  }
0x38f: {  	s31 =	stileid.u32;
	[bflag:$0x2] =	sbarrier.arrive $0xFFFF  }
0x390: {  	p0 =	sne.s32 s31, $0x0;
	s0 =	rddreg [dreg:$0x2]  }
0x391: {  	s0 =	sadd.s32 @!p0 $0x100000, s0  }
0x392: {  	[sflag:s0] =	ssyncadd.tile.s32 @!p0 $0x1;
	_ =	shalt  }
.Lfunc_end2:
_tile_overlayer_lowered:
.L_overlay_start_2:
0x393: {  	(tag) =	ssettag $0x2  }
0x394: {  	s0 =	rddreg [dreg:$0x0];
	s2 =	stileid.u32  }
0x395: {  	s1 =	rddreg [dreg:$0x1];
	p0 =	sne.s32 s2, $0x0  }
0x396: {  	s3 =	rddreg [dreg:$0x2];
	[bflag:$0x3] =	sbarrier.arrive $0xFFFF;
	s2 =	simm.s32 @!p0 $0x1C09  }
0x397: {  	[timem:s3], [sflag:s2] =	dma.local @!p0 [hbm:s0], s1  }
0x398: {  	s0 =	simm.s32 @!p0 $0x9  }
0x399: {  	_ =	swait.ge @!p0 [sflag:s0], s1  }
0x39a: {  	s1 =	ssub.s32 @!p0 $0x0, s1;
	[sflag:s0] =	ssyncset.done @!p0 $0x0  }
0x39b: {  	[sflag:s0] =	ssyncadd.s32 @!p0 s1  }
0x39c: {  	[bflag:$0x3] =	sbarrier.arrive $0xFFFF  }
0x39d: {  	_ =	shalt  }

// kernel: sparse-core-data-format-call.cloned.1.call-start
scs
called_computation_lowered:
.L_overlay_start_0:
0x0: {  	s2 =	sld [smem:$0x3FD9]  }
0x1: {  	s3 =	sld [smem:$0x3FFE];
	_ =	sdelay $0x1  }
0x2: {  	s1 =	srdreg.scid  }
0x3: {  	s0 =	sand.u32 $0x1, s1  }
0x4: {  	s18 =	sshll.u32 s0, $0xA;
	s2 =	sadd.s32 s3, s2  }
0x5: {  	s2 =	sadd.s32 s2, s18  }
0x6: {  	[smem:$0x3FC6] =	sst s2  }
0x7: {  	_ = 	snop  }
0x8: {  	s2 =	sld [smem:$0x3FD0];
	(tm) =	ssettm $0x1  }
0x9: {  	s19 =	sld [smem:$0x3FFB];
	_ =	sdelay $0x3  }
0xa: {  	_ =	strace s19  }
0xb: {  	s3 =	sld [smem:$0x3FFC];
	_ =	sdelay $0x3  }
0xc: {  	_ =	strace s3  }
0xd: {  	s3 =	sld [smem:$0x3FFD];
	_ =	sdelay $0x3  }
0xe: {  	_ =	strace s3  }
0xf: {  	_ =	strace $0x8FFFFFFF  }
0x10: {  	s20 =	sld [smem:$0x3FDB];
	_ =	sdelay $0x1  }
0x11: {  	s4 =	simm.s32 $_scs_section_size  }
0x12: {  	s5 =	simm.s32 $_size__tile_overlayer_lowered;
	s6 =	simm.s32 $_tile_overlayer_lowered  }
0x13: {  	s23 =	simm.s32 $0x1BFF;
	s22 =	sshll.u32 s6, $0x1;
	s3 =	sadd.s32 s4, s20  }
0x14: {  	s7 =	simm.s32 $0x0;
	s21 =	sshll.u32 s5, $0x1;
	s5 =	sadd.s32 s22, s3  }
0x15: {  	[timem:s7], [sflag:s23] =	dma.local [hbm:s5], s21  }
0x16: {  	_ =	swait.ge [sflag:s23], s21  }
0x17: {  	s4 =	ssub.s32 $0x0, s21;
	[sflag:s23] =	ssyncset.done $0x0  }
0x18: {  	[sflag:s23] =	ssyncadd.s32 s4;
	_ =	sdelay $0x1  }
0x19: {  	s24 =	simm.s32 $0x1B8B  }
0x1a: {  	_ =	swait.ge [sflag:s24], $0x1  }
0x1b: {  	[sflag:s24] =	ssyncset.done $0x0  }
0x1c: {  	s26 =	simm.s32 $0x1B8E;
	s25 =	sld [smem:$0x3FFE];
	[sflag:s24] =	ssyncadd.s32 $0xFFFFFFFF  }
0x1d: {  	s27 =	simm.s32 $execute0_lowered;
	[smem:$0x3FD2] =	sst s26  }
0x1e: {  	s5 =	sshll.u32 s27, $0x1;
	_ =	strace $0x80000049;
	[dreg:$0x1] =	wrdreg $0xFFFFFFFF  }
0x1f: {  	s28 =	simm.s32 $_size_execute0_lowered;
	s3 =	sadd.s32 s3, s5;
	[dreg:$0x0] =	wrdreg $0x0  }
0x20: {  	s5 =	sshll.u32 s28, $0x1;
	[dreg:$0x2] =	wrdreg s3  }
0x21: {  	[dreg:$0x3] =	wrdreg s5  }
0x22: {  	[dreg:$0x4] =	wrdreg $0xC0  }
0x23: {  	_ =	task [dreg:s7], $0x5FFFF  }
0x24: {  	[dreg:$0x1] =	wrdreg $0xFFFFFFFF  }
0x25: {  	[dreg:$0x0] =	wrdreg $0x60  }
0x26: {  	[dreg:$0x2] =	wrdreg s25  }
0x27: {  	[dreg:$0x3] =	wrdreg s2  }
0x28: {  	[dreg:$0x4] =	wrdreg $0x9  }
0x29: {  	_ =	task.clear_ibuf [dreg:s7], $0x5FFFF;
	_ =	strace $0x90000049  }
0x2a: {  	s29 =	simm.s32 $0x9;
	_ =	strace $0x8000004B  }
0x2b: {  	_ =	swait.ge [sflag:s29], $0x1  }
0x2c: {  	[sflag:s29] =	ssyncadd.s32 $0xFFFFFFFF  }
0x2d: {  	_ =	strace $0x9000004B  }
0x2e: {  	_ =	sfence  }
0x2f: {  	s30 =	sld [smem:$0x0];
	_ =	sdelay $0x2  }
0x30: {  	s31 =	sshll.u32 s1, $0xD;
	s1 =	sshrl.u32 s1, $0x2  }
0x31: {  	s3 =	sand.u32 $0x4000, s31;
	s1 =	sadd.s32 s1, s30  }
0x32: {  	s0 =	sor.u32 s3, s0;
	s1 =	sshll.u32 s1, $0x11  }
0x33: {  	s0 =	sor.u32 s1, s0  }
0x34: {  	s0 =	sadd.s32 $0x8F2B, s0  }
0x35: {  	[sflag:s0] =	ssyncadd.remote.s32 $0x1  }
0x36: {  	_ =	sfence.sel $0xFFFF  }
0x37: {  	[dreg:$0x0] =	wrdreg $0xFFFFFFFF;
	(pc) =	sbr.abs _section_cstart, $3  }
0x38: {  	[dreg:$0x1] =	wrdreg $0xFFFFFFFF  }
0x39: {  	_ =	task.clear_ibuf [dreg:s7], $0x2FFFF;
	_ =	strace $0x9FFFFFFF  }
0x3a: {  	(tm) =	ssettm $0x7FFFFFFF  }
0x3b: {  	_ =	shalt  }
tec
execute0_lowered:
.L_overlay_start_1:
0x0: {  	(tag) =	ssettag $0x1  }
0x1: {  	s0 =	srdreg.scid  }
0x2: {  	s1 =	sshll.u32 s0, $0x4  }
0x3: {  	s0 =	stileid.u32;
	s1 =	sand.u32 $0x10, s1  }
0x4: {  	s1 =	sor.u32 s0, s1  }
0x5: {  	s6 =	rddreg [dreg:$0x0];
	s4 =	simm.s32 $0x1;
	s2 =	sshll.u32 s1, $0x7  }
0x6: {  	s7 =	simm.s32 $0x2;
	s12 =	simm.s32 $0x0;
	s1 =	ssub.s32 $0x4000, s2  }
0x7: {  	s8 =	simm.s32 $0x20000;
	s13 =	simm.s32 $0x0;
	s3 =	sand.u32 $0xF80, s1  }
0x8: {  	s9 =	simm.s32 $0x0;
	s5 =	sshrl.u32 s1, $0xC;
	p0 =	sne.s32 s3, $0x0  }
.Ltmp0:
0x9: {  	s1 =	rddreg [dreg:$0x2];
	s4 =	simm.s32 @!p0 $0x0;
	(pc) =	sbr.rel .LBB1_1-.Ltmp0, $4  }
0xa: {  	s11 =	simm.s32 $0x0;
	s3 =	rddreg [dreg:$0x1];
	s5 =	sadd.s32 s4, s5  }
0xb: {  	_ =	strace $0x8000004A;
	s4 =	simm.s32 $0x1;
	s5 =	smul.u32 $0x14, s5  }
0xc: {  	s6 =	sadd.s32 $0xA00, s6;
	s10 =	smov.u32 s2;
	[sflag:s4] =	ssyncpa.u1 $0x0  }
0xd: {  	p0 =	por $0x0, $0x0;
	[sflag:s7] =	ssyncpa.u1 $0x0;
	s7 =	sor.u32 $0x1, s5  }
.LBB1_4:
0xe: {  	s16 =	sshll.u32 s13, $0x3;
	s17 =	sand.u32 $0x78, s13  }
0xf: {  	s30 =	sand.u32 $0x1F800, s13;
	s12 =	sshll.u32 s12, $0x11;
	s16 =	sand.u32 $0x3C00, s16  }
0x10: {  	[tilespmem:s15+$0x810 ss:$0x81] =	vst.msk $0xffff, v2;
	s31 =	sand.u32 $0x7, s13;
	s16 =	sor.u32 s17, s16;
	s17 =	sadd.s32 s3, s30  }
0x11: {  	[tilespmem:s15+$0x1020 ss:$0x81] =	vst.msk $0xffff, v0;
	s13 =	sshll.u32 s31, $0x12;
	s12 =	sadd.s32 s12, s17;
	s16 =	sshrl.u32 s16, $0x3  }
0x12: {  	[tilespmem:s15+$0x0 ss:$0x81] =	vst.msk $0xffff, v1;
	s13 =	sor.u32 $0x400, s13;
	s12 =	sadd.s32 s16, s12  }
0x13: {  	[hbm4b:s12+s13] =	stream.strided.scatter [tilespmem:s14], [sflag:$0x2], $0x2000, s8, s13, $0x20;
	[tilespmem:$0x8080] =	vst v63  }
.LBB1_5:
0x14: {  	s14 =	sadd.s32 $0x1, s9  }
0x15: {  	s12 =	sadd.s32 $0x1000, s10;
	s16 =	smov.u32 s10;
	p2 =	sgt.s32 s14, $0x13  }
0x16: {  	s16 =	smov.u32 @p2 s12  }
0x17: {  	s14 =	simm.s32 @p2 $0x0;
	p2 =	sgt.s32 s16, $0x3FFF  }
0x18: {  	s16 =	smov.u32 @p2 s2;
	p2 =	sne.s32 s11, s7  }
.Ltmp1:
0x19: {  	p1 =	slt.u32 s11, $0x2;
	(pc) =	sbr.rel @!p2 .LBB1_6-.Ltmp1, $4  }
0x1a: {  	s15 =	simm.s32 @!p1 $0x2  }
0x1b: {  	s13 =	smov.u32 s10;
	p0 =	por !p0, !p0;
	_ =	swait.ge @!p1 [sflag:s15], $0x2000  }
0x1c: {  	s12 =	smov.u32 s9;
	[sflag:s15] =	ssyncset.done @!p1 $0x0;
	s9 =	smov.u32 s14  }
0x1d: {  	s11 =	sadd.s32 $0x1, s11;
	[sflag:s15] =	ssyncadd.s32 @!p1 $0xFFFFE000;
	s10 =	smov.u32 s16  }
.LBB1_1:
0x1e: {  	p1 =	sge.u32 s11, s5  }
0x1f: {  	s14 =	sand.u32 @!p1 $0x1FFFFFF, s9  }
0x20: {  	s15 =	smulhi.u32 @!p1 $0xAAAAAAB, s14;
	_ =	sdelay $0x1  }
0x21: {  	s15 =	smul.u32 @!p1 $0x18, s15  }
0x22: {  	s16 =	sxor.u32 @!p1 $0xFFFFFFFF, s11;
	s17 =	smul.u32 @!p1 $0x180, s10  }
0x23: {  	s31 =	sadd.s32 $0xFFFFFFFF, s11;
	s16 =	sshll.u32 @!p1 s16, $0xD;
	s14 =	ssub.s32 @!p1 s14, s15  }
0x24: {  	s15 =	sand.u32 @!p1 $0x2000, s16;
	s16 =	sadd.s32 @!p1 s6, s17;
	s14 =	sshll.u32 @!p1 s14, $0x4  }
0x25: {  	s17 =	simm.s32 @!p1 $0xC00;
	s14 =	sadd.s32 @!p1 s14, s16;
	s16 =	simm.s32 @!p1 $0x40  }
0x26: {  	[tilespmem:s15], [sflag:$0x1] =	stream.strided.gather @!p1 [hbm4b:s14+s16], $0x2000, s17, s16, $0x38;
	[tilespmem:$0x8080] =	vst v63  }
0x27: {  	p1 =	sge.u32 s31, s5  }
.Ltmp2:
0x28: {  	_ = 	snop;
	(pc) =	sbr.rel @p1 .LBB1_5-.Ltmp2, $1  }
0x29: {  	_ =	sdelay $0x3  }
0x2a: {  	s14 =	simm.s32 $0x1  }
0x2b: {  	_ =	swait.ge [sflag:s4], $0x2000;
	s14 =	simm.s32 @!p0 $0x0  }
0x2c: {  	[sflag:s4] =	ssyncset.done $0x0;
	s15 =	sshll.u32 s14, $0xD  }
0x2d: {  	[sflag:s4] =	ssyncadd.s32 $0xFFFFE000;
	s18 =	sor.u32 $0x20, s15  }
0x2e: {  	s14 =	smul.u32 $0x8100, s14;
	v3 =	vld [tilespmem:s18+$0x10]  }
0x2f: {  	s30 =	sand.u32 $0x1, s11;
	v2 =	vld [tilespmem:s18+$0xFFFFFFF0]  }
0x30: {  	s15 =	smul.u32 $0x8100, s30;
	s14 =	sshrl.u32 s14, $0x2;
	v0 =	vld [tilespmem:s18+$0x0]  }
0x31: {  	v1 =	vld [tilespmem:s18+$0xFFFFFFE0];
	s16 =	sor.u32 $0x4000, s14  }
0x32: {  	s31 =	sshrl.u32 s15, $0x2;
	s15 =	sadd.s32 $0x0, s16  }
0x33: {  	s17 =	simm.s32 $0x4;
	s18 =	sadd.s32 $0x40, s18;
	s14 =	sor.u32 $0x4000, s31;
	[tilespmem:s15+$0x1830 ss:$0x81] =	vst.msk $0xffff, v3  }
.LBB1_3:
0x34: {  	v3 =	vld [tilespmem:s18+$0x10];
	p1 =	sne.s32 s17, $0x1FC;
	[tilespmem:s15+$0x810 ss:$0x81] =	vst.msk $0xffff, v2;
	s19 =	smov.u32 s17;
	s17 =	sadd.s32 $0x4, s17  }
.Ltmp3:
0x35: {  	v2 =	vld [tilespmem:s18+$0xFFFFFFF0];
	[tilespmem:s15+$0x1020 ss:$0x81] =	vst.msk $0xffff, v0;
	(pc) =	sbr.rel @p1 .LBB1_3-.Ltmp3, $4  }
0x36: {  	v0 =	vld [tilespmem:s18+$0x0];
	[tilespmem:s15+$0x0 ss:$0x81] =	vst.msk $0xffff, v1  }
0x37: {  	s15 =	sshra.s32 s19, $0x2;
	v1 =	vld [tilespmem:s18+$0xFFFFFFE0]  }
0x38: {  	s15 =	sadd.s32 s15, s16  }
0x39: {  	s18 =	sadd.s32 $0x40, s18;
	[tilespmem:s15+$0x1830 ss:$0x81] =	vst.msk $0xffff, v3  }
.Ltmp4:
0x3a: {  	_ = 	snop;
	(pc) =	sbr.rel .LBB1_4-.Ltmp4, $1  }
0x3b: {  	_ =	sdelay $0x3  }
.LBB1_6:
0x3c: {  	_ =	sfence.sel $0x180000  }
0x3d: {  	s2 =	simm.s32 $0x1;
	[bflag:$0x0] =	sbarrier.arrive $0xFFFF  }
0x3e: {  	s31 =	simm.s32 $0x2;
	[sflag:s2] =	ssyncpa.u1 $0x1  }
0x3f: {  	[sflag:s31] =	ssyncpa.u1 $0x1  }
0x40: {  	p0 =	sne.s32 s0, $0x0;
	_ =	strace $0x9000004A  }
0x41: {  	s0 =	sadd.s32 @!p0 $0x100000, s1;
	[bflag:$0x2] =	sbarrier.arrive $0xFFFF  }
0x42: {  	[sflag:s0] =	ssyncadd.tile.s32 @!p0 $0x1;
	_ =	shalt  }
.Lfunc_end1:
_tile_overlayer_lowered:
.L_overlay_start_2:
0x43: {  	(tag) =	ssettag $0x2  }
0x44: {  	s0 =	rddreg [dreg:$0x0];
	s2 =	stileid.u32  }
0x45: {  	s1 =	rddreg [dreg:$0x1];
	p0 =	sne.s32 s2, $0x0  }
0x46: {  	s3 =	rddreg [dreg:$0x2];
	[bflag:$0x3] =	sbarrier.arrive $0xFFFF;
	s2 =	simm.s32 @!p0 $0x1C01  }
0x47: {  	[timem:s3], [sflag:s2] =	dma.local @!p0 [hbm:s0], s1  }
0x48: {  	s0 =	simm.s32 @!p0 $0x1  }
0x49: {  	_ =	swait.ge @!p0 [sflag:s0], s1  }
0x4a: {  	s1 =	ssub.s32 @!p0 $0x0, s1;
	[sflag:s0] =	ssyncset.done @!p0 $0x0  }
0x4b: {  	[sflag:s0] =	ssyncadd.s32 @!p0 s1  }
0x4c: {  	[bflag:$0x3] =	sbarrier.arrive $0xFFFF  }
0x4d: {  	_ =	shalt  }

</sc_bundles>
